<compile_context>
chip_gen: v7x
topology: tpu7x:2x2x1
jax: 0.10.2.dev20260603
libtpu: 0.0.44.dev20260713+nightly
codegen_flags: <defaults>
</compile_context>

<pallas_src>
import jax
import jax.numpy as jnp
from jax import lax
from jax.experimental import pallas as pl
from jax.experimental.pallas import tpu as pltpu
from jax.experimental.pallas import tpu_sc as plsc

B = 8
N = 2048
L = 16
NKV = N // L
QBLK = 4
UNROLL = 4

KSC = 1


_CHUNKS = 16 // KSC if KSC else 1
_QLEN = N // _CHUNKS if KSC else N


def _round_bf16(v):
    u = plsc.bitcast(v, jnp.uint32)
    lsb = (u >> jnp.uint32(16)) & jnp.uint32(1)
    r = (u + jnp.uint32(0x7FFF) + lsb) & jnp.uint32(0xFFFF0000)
    return plsc.bitcast(r, jnp.float32)


def _sc_tile_body(pts_hbm, out_hbm, pv, q2, k2, res):
    c = lax.axis_index("c")
    s = lax.axis_index("s")
    w = s * 2 + c
    d = w // 16
    r = w % 16
    b = r // _CHUNKS
    h = r % _CHUNKS
    q0 = h * _QLEN
    dk = 1 - d

    pltpu.sync_copy(pts_hbm.at[b], pv)
    qb = d * (3 * N) + q0
    kb = dk * (3 * N)

    def k2_body(j, carry):
        off = j * L
        xs = pv[pl.ds(kb + off, L)]
        ys = pv[pl.ds(kb + N + off, L)]
        zs = pv[pl.ds(kb + 2 * N + off, L)]
        k2[pl.ds(off, L)] = xs * xs + ys * ys + zs * zs
        pv[pl.ds(kb + off, L)] = _round_bf16(xs)
        pv[pl.ds(kb + N + off, L)] = _round_bf16(ys)
        pv[pl.ds(kb + 2 * N + off, L)] = _round_bf16(zs)
        return carry

    lax.fori_loop(0, NKV, k2_body, 0)

    def q2_body(j, carry):
        off = j * L
        xs = pv[pl.ds(qb + off, L)]
        ys = pv[pl.ds(qb + N + off, L)]
        zs = pv[pl.ds(qb + 2 * N + off, L)]
        q2[pl.ds(off, L)] = xs * xs + ys * ys + zs * zs
        return carry

    lax.fori_loop(0, _QLEN // L, q2_body, 0)

    inf = jnp.full((L,), jnp.inf, jnp.float32)

    def qblk_body(i, carry):
        qbase = i * QBLK
        av = []
        bv = []
        cv = []
        q2v = []
        for u in range(QBLK):
            idx = jnp.full((L,), qb + qbase + u, jnp.int32)
            av.append(-2.0 * _round_bf16(plsc.load_gather(pv, [idx])))
            bv.append(-2.0 * _round_bf16(plsc.load_gather(pv, [idx + N])))
            cv.append(-2.0 * _round_bf16(plsc.load_gather(pv, [idx + 2 * N])))
            q2v.append(plsc.load_gather(q2, [jnp.full((L,), qbase + u,
                                                      jnp.int32)]))

        def k_body(jj, accs):
            accs = list(accs)
            for t in range(UNROLL):
                off = (jj * UNROLL + t) * L
                xk = pv[pl.ds(kb + off, L)]
                yk = pv[pl.ds(kb + N + off, L)]
                zk = pv[pl.ds(kb + 2 * N + off, L)]
                kk = k2[pl.ds(off, L)]
                for u in range(QBLK):
                    dv = kk + av[u] * xk + bv[u] * yk + cv[u] * zk
                    accs[u] = jnp.minimum(accs[u], dv)
            return tuple(accs)

        accs = lax.fori_loop(0, NKV // UNROLL, k_body,
                             (inf,) * QBLK)
        lane0 = lax.iota(jnp.int32, L) == 0
        for u in range(QBLK):
            m = jnp.min(accs[u] + q2v[u])
            idx = jnp.full((L,), qbase + u, jnp.int32)
            plsc.store_scatter(res, [idx], jnp.full((L,), m), mask=lane0)
        return carry

    lax.fori_loop(0, _QLEN // QBLK, qblk_body, 0)

    pltpu.sync_copy(res, out_hbm.at[d, b, pl.ds(q0, _QLEN)])


def _make_sc_kernel():
    mesh = plsc.VectorSubcoreMesh(core_axis_name="c", subcore_axis_name="s")
    return pl.kernel(
        _sc_tile_body,
        out_type=jax.ShapeDtypeStruct((2, KSC, N), jnp.float32),
        mesh=mesh,
        scratch_types=[
            pltpu.VMEM((6 * N,), jnp.float32),
            pltpu.VMEM((_QLEN,), jnp.float32),
            pltpu.VMEM((N,), jnp.float32),
            pltpu.VMEM((_QLEN,), jnp.float32),
        ],
        compiler_params=pltpu.CompilerParams(needs_layout_passes=False),
    )




def _tc_batch(xb, yt, d1_ref, d2_ref, b):
    n1 = jnp.sum(xb * xb, axis=1, keepdims=True)
    n2 = jnp.sum(yt * yt, axis=0, keepdims=True)
    hi = n2.astype(jnp.bfloat16)
    r1 = n2 - hi.astype(jnp.float32)
    mid = r1.astype(jnp.bfloat16)
    lo = (r1 - mid.astype(jnp.float32)).astype(jnp.bfloat16)
    a = (-2.0 * xb).astype(jnp.bfloat16)
    ones = jnp.ones((N, 3), jnp.bfloat16)
    lhs = jnp.concatenate([a, ones], axis=1)
    rhs = jnp.concatenate(
        [yt.astype(jnp.bfloat16), hi, mid, lo], axis=0)
    CW = N // 4
    NCH = N // CW
    d1acc = None
    prev = None

    def chunk_mins(c, t):
        nonlocal d1acc
        m = jnp.min(t, axis=1)
        d1acc = m if d1acc is None else jnp.minimum(d1acc, m)
        d2_ref[b, 0, c * CW:(c + 1) * CW] = jnp.min(t + n1, axis=0)

    for c in range(NCH):
        t = lax.dot_general(lhs, rhs[:, c * CW:(c + 1) * CW],
                            (((1,), (0,)), ((), ())),
                            preferred_element_type=jnp.float32)
        if prev is not None:
            chunk_mins(c - 1, prev)
        prev = t
    chunk_mins(NCH - 1, prev)
    d1_ref[b, 0, :] = d1acc + n1[:, 0]


def _tc_body(x1_ref, p2t_ref, d1_ref, d2_ref):
    nb = x1_ref.shape[0]

    def body(b, carry):
        _tc_batch(x1_ref[b], p2t_ref[b], d1_ref, d2_ref, b)
        return carry

    lax.fori_loop(0, nb, body, 0)


def _tc_pair(x1, x2t, nb_batches):
    return pl.pallas_call(
        _tc_body,
        out_shape=[
            jax.ShapeDtypeStruct((nb_batches, 1, N), jnp.float32),
            jax.ShapeDtypeStruct((nb_batches, 1, N), jnp.float32),
        ],
    )(x1, x2t)




def kernel(xyz1, xyz2):
    outs1 = []
    outs2 = []
    if KSC:
        pts = jnp.stack([
            jnp.moveaxis(xyz1[:KSC], -1, 0),
            jnp.moveaxis(xyz2[:KSC], -1, 0),
        ]).transpose(2, 0, 1, 3).reshape(KSC, 6 * N)
        sc_out = _make_sc_kernel()(pts)
        outs1.append(sc_out[0])
        outs2.append(sc_out[1])
    if KSC < B:
        ntc = B - KSC
        x1 = xyz1[KSC:]
        x2 = xyz2[KSC:]
        x2t = jnp.moveaxis(x2, -1, 1)
        d1, d2 = _tc_pair(x1, x2t, ntc)
        outs1.append(d1.reshape(ntc, N))
        outs2.append(d2.reshape(ntc, N))
    dist1 = outs1[0] if len(outs1) == 1 else jnp.concatenate(outs1, axis=0)
    dist2 = outs2[0] if len(outs2) == 1 else jnp.concatenate(outs2, axis=0)
    return dist1, dist2

# --- scband reference (transcript-rebuilt; emitter-appended) ---
"""Pipeline reference for scband-chamfer-distance-1486058684542 (READ-ONLY COPY).

The authoritative reference and input builder live on the scoring server;
editing this copy changes nothing except your own understanding.
"""

import jax, jax.numpy as jnp
import numpy as np


def _pairwise_sqdist(x, y):
    # x: [B, N, 3], y: [B, M, 3] -> squared euclidean distance matrix [B, N, M]
    x2 = jnp.sum(x * x, axis=-1)              # [B, N]
    y2 = jnp.sum(y * y, axis=-1)              # [B, M]
    xy = jnp.einsum('bnd,bmd->bnm', x, y)     # [B, N, M]
    return x2[:, :, None] + y2[:, None, :] - 2.0 * xy


def setup_inputs(seed: int = 0) -> dict:
    key = jax.random.key(seed)
    k1, k2 = jax.random.split(key)
    xyz1 = jax.random.normal(k1, (8, 2048, 3), dtype=jnp.float32)
    xyz2 = jax.random.normal(k2, (8, 2048, 3), dtype=jnp.float32)
    return {"xyz1": xyz1, "xyz2": xyz2}


def reference(xyz1, xyz2):
    # Chamfer distance: for each point in xyz1, squared distance to its
    # nearest neighbor in xyz2 (dist1), and vice versa (dist2).
    d = _pairwise_sqdist(xyz1, xyz2)   # [B, N, M]
    dist1 = jnp.min(d, axis=2)         # [B, N] nearest in xyz2 for each xyz1 point
    dist2 = jnp.min(d, axis=1)         # [B, M] nearest in xyz1 for each xyz2 point
    return (dist1, dist2)

if __name__ == "__main__":
    import jax
    _d = setup_inputs()
    print(jax.jit(kernel)(*tuple(_d.values())))

</pallas_src>

<mosaic_0001>
#map = affine_map<(d0, d1) -> (0, 0)>
#map1 = affine_map<(d0, d1) -> (0, 0, 0)>
module attributes {stable_mosaic.version = 14 : i64} {
  func.func @_sc_tile_body(%arg0: i32, %arg1: i32, %arg2: memref<1x12288xf32, #tpu.memory_space<hbm>>, %arg3: memref<2x1x2048xf32, #tpu.memory_space<hbm>>, %arg4: memref<12288xf32, #tpu.memory_space<vmem>>, %arg5: memref<128xf32, #tpu.memory_space<vmem>>, %arg6: memref<2048xf32, #tpu.memory_space<vmem>>, %arg7: memref<128xf32, #tpu.memory_space<vmem>>) attributes {dimension_semantics = [#tpu.dimension_semantics<core_parallel>, #tpu.dimension_semantics<subcore_parallel>], iteration_bounds = array<i64: 2, 16>, scalar_prefetch = 0 : i64, scratch_operands = 4 : i64, tpu.core_type = #tpu.core_type<sc_vector_subcore>, window_params = [{transform_indices = #map}, {transform_indices = #map1}]} {
    %mul3A = arith.constant 2 : i32
    %mul3A_0 = arith.muli %arg1, %mul3A : i32
    %add3A = arith.addi %mul3A_0, %arg0 : i32
    %jit3A = arith.constant 16 : i32
    %div3A = arith.divsi %add3A, %jit3A : i32
    %sign3A = arith.constant 0 : i32
    %sign3A_1 = arith.cmpi sgt, %add3A, %sign3A : i32
    %sign3A_2 = arith.extui %sign3A_1 : i1 to i32
    %sign3A_3 = arith.constant 0 : i32
    %sign3A_4 = arith.cmpi slt, %add3A, %sign3A_3 : i32
    %sign3A_5 = arith.extui %sign3A_4 : i1 to i32
    %sign3A_6 = arith.subi %sign3A_2, %sign3A_5 : i32
    %sign3A_7 = arith.constant 0 : i32
    %sign3A_8 = arith.cmpi sgt, %jit3A, %sign3A_7 : i32
    %sign3A_9 = arith.extui %sign3A_8 : i1 to i32
    %sign3A_10 = arith.constant 0 : i32
    %sign3A_11 = arith.cmpi slt, %jit3A, %sign3A_10 : i32
    %sign3A_12 = arith.extui %sign3A_11 : i1 to i32
    %sign3A_13 = arith.subi %sign3A_9, %sign3A_12 : i32
    %ne3A = arith.cmpi ne, %sign3A_6, %sign3A_13 : i32
    %rem3A = arith.remsi %add3A, %jit3A : i32
    %ne3A_14 = arith.constant 0 : i32
    %ne3A_15 = arith.cmpi ne, %rem3A, %ne3A_14 : i32
    %and3A = arith.andi %ne3A, %ne3A_15 : i1
    %sub3A = arith.constant 1 : i32
    %sub3A_16 = arith.subi %div3A, %sub3A : i32
    %select_n3A = arith.select %and3A, %sub3A_16, %div3A : i32
    %jit3A_17 = arith.constant 16 : i32
    %eq3A = arith.constant 0 : i32
    %eq3A_18 = arith.cmpi eq, %jit3A_17, %eq3A : i32
    %jit3A_19 = arith.constant 1 : i32
    %select_n3A_20 = arith.select %eq3A_18, %jit3A_19, %jit3A_17 : i32
    %rem3A_21 = arith.remsi %add3A, %select_n3A_20 : i32
    %ne3A_22 = arith.constant 0 : i32
    %ne3A_23 = arith.cmpi ne, %rem3A_21, %ne3A_22 : i32
    %lt3A = arith.constant 0 : i32
    %lt3A_24 = arith.cmpi slt, %rem3A_21, %lt3A : i32
    %lt3A_25 = arith.constant 0 : i32
    %lt3A_26 = arith.cmpi slt, %select_n3A_20, %lt3A_25 : i32
    %ne3A_27 = arith.xori %lt3A_24, %lt3A_26 : i1
    %and3A_28 = arith.andi %ne3A_27, %ne3A_23 : i1
    %add3A_29 = arith.addi %rem3A_21, %select_n3A_20 : i32
    %select_n3A_30 = arith.select %and3A_28, %add3A_29, %rem3A_21 : i32
    %jit3A_31 = arith.constant 16 : i32
    %div3A_32 = arith.divsi %select_n3A_30, %jit3A_31 : i32
    %sign3A_33 = arith.constant 0 : i32
    %sign3A_34 = arith.cmpi sgt, %select_n3A_30, %sign3A_33 : i32
    %sign3A_35 = arith.extui %sign3A_34 : i1 to i32
    %sign3A_36 = arith.constant 0 : i32
    %sign3A_37 = arith.cmpi slt, %select_n3A_30, %sign3A_36 : i32
    %sign3A_38 = arith.extui %sign3A_37 : i1 to i32
    %sign3A_39 = arith.subi %sign3A_35, %sign3A_38 : i32
    %sign3A_40 = arith.constant 0 : i32
    %sign3A_41 = arith.cmpi sgt, %jit3A_31, %sign3A_40 : i32
    %sign3A_42 = arith.extui %sign3A_41 : i1 to i32
    %sign3A_43 = arith.constant 0 : i32
    %sign3A_44 = arith.cmpi slt, %jit3A_31, %sign3A_43 : i32
    %sign3A_45 = arith.extui %sign3A_44 : i1 to i32
    %sign3A_46 = arith.subi %sign3A_42, %sign3A_45 : i32
    %ne3A_47 = arith.cmpi ne, %sign3A_39, %sign3A_46 : i32
    %rem3A_48 = arith.remsi %select_n3A_30, %jit3A_31 : i32
    %ne3A_49 = arith.constant 0 : i32
    %ne3A_50 = arith.cmpi ne, %rem3A_48, %ne3A_49 : i32
    %and3A_51 = arith.andi %ne3A_47, %ne3A_50 : i1
    %sub3A_52 = arith.constant 1 : i32
    %sub3A_53 = arith.subi %div3A_32, %sub3A_52 : i32
    %select_n3A_54 = arith.select %and3A_51, %sub3A_53, %div3A_32 : i32
    %jit3A_55 = arith.constant 16 : i32
    %eq3A_56 = arith.constant 0 : i32
    %eq3A_57 = arith.cmpi eq, %jit3A_55, %eq3A_56 : i32
    %jit3A_58 = arith.constant 1 : i32
    %select_n3A_59 = arith.select %eq3A_57, %jit3A_58, %jit3A_55 : i32
    %rem3A_60 = arith.remsi %select_n3A_30, %select_n3A_59 : i32
    %ne3A_61 = arith.constant 0 : i32
    %ne3A_62 = arith.cmpi ne, %rem3A_60, %ne3A_61 : i32
    %lt3A_63 = arith.constant 0 : i32
    %lt3A_64 = arith.cmpi slt, %rem3A_60, %lt3A_63 : i32
    %lt3A_65 = arith.constant 0 : i32
    %lt3A_66 = arith.cmpi slt, %select_n3A_59, %lt3A_65 : i32
    %ne3A_67 = arith.xori %lt3A_64, %lt3A_66 : i1
    %and3A_68 = arith.andi %ne3A_67, %ne3A_62 : i1
    %add3A_69 = arith.addi %rem3A_60, %select_n3A_59 : i32
    %select_n3A_70 = arith.select %and3A_68, %add3A_69, %rem3A_60 : i32
    %mul3A_71 = arith.constant 128 : i32
    %mul3A_72 = arith.muli %select_n3A_70, %mul3A_71 : i32
    %sub3A_73 = arith.constant 1 : i32
    %sub3A_74 = arith.subi %sub3A_73, %select_n3A : i32
    "tpu.region"() ({
      %run_scoped3A = tpu.sem_alloc : memref<!tpu.dma_semaphore, #tpu.memory_space<semaphore_mem>>
      %dma_start3A = arith.constant 0 : i32
      %dma_start3A_98 = tpu.memref_slice %arg2[%select_n3A_54, %dma_start3A] : memref<1x12288xf32, #tpu.memory_space<hbm>> -> memref<1x12288xf32, #tpu.memory_space<hbm>>
      %dma_start3A_99 = tpu.memref_squeeze %dma_start3A_98 : memref<1x12288xf32, #tpu.memory_space<hbm>> -> memref<12288xf32, #tpu.memory_space<hbm>>
      %dma_start3A_100 = arith.constant 0 : i32
      %dma_start3A_101 = tpu.memref_slice %arg2[%select_n3A_54, %dma_start3A_100] : memref<1x12288xf32, #tpu.memory_space<hbm>> -> memref<1x12288xf32, #tpu.memory_space<hbm>>
      %dma_start3A_102 = tpu.memref_squeeze %dma_start3A_101 : memref<1x12288xf32, #tpu.memory_space<hbm>> -> memref<12288xf32, #tpu.memory_space<hbm>>
      tpu.enqueue_dma source(%dma_start3A_102 : memref<12288xf32, #tpu.memory_space<hbm>>) target(%arg4 : memref<12288xf32, #tpu.memory_space<vmem>>) target_semaphore(%run_scoped3A : memref<!tpu.dma_semaphore, #tpu.memory_space<semaphore_mem>>)
      %dma_wait3A = arith.constant 0 : i32
      %dma_wait3A_103 = tpu.memref_slice %arg2[%select_n3A_54, %dma_wait3A] : memref<1x12288xf32, #tpu.memory_space<hbm>> -> memref<1x12288xf32, #tpu.memory_space<hbm>>
      %dma_wait3A_104 = tpu.memref_squeeze %dma_wait3A_103 : memref<1x12288xf32, #tpu.memory_space<hbm>> -> memref<12288xf32, #tpu.memory_space<hbm>>
      %dma_wait3A_105 = arith.constant 0 : i32
      %dma_wait3A_106 = tpu.memref_slice %arg2[%select_n3A_54, %dma_wait3A_105] : memref<1x12288xf32, #tpu.memory_space<hbm>> -> memref<1x12288xf32, #tpu.memory_space<hbm>>
      %dma_wait3A_107 = tpu.memref_squeeze %dma_wait3A_106 : memref<1x12288xf32, #tpu.memory_space<hbm>> -> memref<12288xf32, #tpu.memory_space<hbm>>
      tpu.wait_dma2 semaphore(%run_scoped3A : memref<!tpu.dma_semaphore, #tpu.memory_space<semaphore_mem>>) src(%dma_wait3A_107 : memref<12288xf32, #tpu.memory_space<hbm>>) dst(%arg4 : memref<12288xf32, #tpu.memory_space<vmem>>)
      tpu.yield
    }) : () -> ()
    %mul3A_75 = arith.constant 6144 : i32
    %mul3A_76 = arith.muli %select_n3A, %mul3A_75 : i32
    %add3A_77 = arith.addi %mul3A_76, %mul3A_72 : i32
    %mul3A_78 = arith.constant 6144 : i32
    %mul3A_79 = arith.muli %sub3A_74, %mul3A_78 : i32
    %scan3A = arith.constant 0 : i32
    %scan3A_80 = arith.constant 0 : i32
    %scan3A_81 = arith.constant 128 : i32
    %scan3A_82 = arith.addi %scan3A_80, %scan3A_81 : i32
    %scan3A_83 = arith.constant 1 : i32
    scf.for %scan3A_98 = %scan3A_80 to %scan3A_82 step %scan3A_83  : i32 {
      %mul3A_99 = arith.constant 16 : i32
      %mul3A_100 = arith.muli %scan3A_98, %mul3A_99 : i32
      %add3A_101 = arith.addi %mul3A_79, %mul3A_100 : i32
      %get3A = arith.index_cast %add3A_101 : i32 to index
      %get3A_102 = tpu.vector_load %arg4[%get3A] {strides = array<i32>} : memref<12288xf32, #tpu.memory_space<vmem>>, vector<16xf32>,
      %add3A_103 = arith.constant 2048 : i32
      %add3A_104 = arith.addi %mul3A_79, %add3A_103 : i32
      %add3A_105 = arith.addi %add3A_104, %mul3A_100 : i32
      %get3A_106 = arith.index_cast %add3A_105 : i32 to index
      %get3A_107 = tpu.vector_load %arg4[%get3A_106] {strides = array<i32>} : memref<12288xf32, #tpu.memory_space<vmem>>, vector<16xf32>,
      %add3A_108 = arith.constant 4096 : i32
      %add3A_109 = arith.addi %mul3A_79, %add3A_108 : i32
      %add3A_110 = arith.addi %add3A_109, %mul3A_100 : i32
      %get3A_111 = arith.index_cast %add3A_110 : i32 to index
      %get3A_112 = tpu.vector_load %arg4[%get3A_111] {strides = array<i32>} : memref<12288xf32, #tpu.memory_space<vmem>>, vector<16xf32>,
      %mul3A_113 = arith.mulf %get3A_102, %get3A_102 : vector<16xf32>
      %mul3A_114 = arith.mulf %get3A_107, %get3A_107 : vector<16xf32>
      %add3A_115 = arith.addf %mul3A_113, %mul3A_114 : vector<16xf32>
      %mul3A_116 = arith.mulf %get3A_112, %get3A_112 : vector<16xf32>
      %add3A_117 = arith.addf %add3A_115, %mul3A_116 : vector<16xf32>
      %swap3A = arith.index_cast %mul3A_100 : i32 to index
      %swap3A_118 = tpu.vector_load %arg6[%swap3A] {strides = array<i32>} : memref<2048xf32, #tpu.memory_space<vmem>>, vector<16xf32>,
      tpu.vector_store %arg6[%swap3A], %add3A_117 {strides = array<i32>} : memref<2048xf32, #tpu.memory_space<vmem>>, vector<16xf32>,
      %bitcast3A = vector.bitcast %get3A_102 : vector<16xf32> to vector<16xi32>
      %shift_right_logical3A = arith.constant 16 : i32
      %shift_right_logical3A_119 = vector.broadcast %shift_right_logical3A : i32 to vector<16xi32>
      %shift_right_logical3A_120 = arith.shrui %bitcast3A, %shift_right_logical3A_119 : vector<16xi32>
      %and3A_121 = arith.constant 1 : i32
      %and3A_122 = vector.broadcast %and3A_121 : i32 to vector<16xi32>
      %and3A_123 = arith.andi %shift_right_logical3A_120, %and3A_122 : vector<16xi32>
      %add3A_124 = arith.constant 32767 : i32
      %add3A_125 = vector.broadcast %add3A_124 : i32 to vector<16xi32>
      %add3A_126 = arith.addi %bitcast3A, %add3A_125 : vector<16xi32>
      %add3A_127 = arith.addi %add3A_126, %and3A_123 : vector<16xi32>
      %and3A_128 = arith.constant -65536 : i32
      %and3A_129 = vector.broadcast %and3A_128 : i32 to vector<16xi32>
      %and3A_130 = arith.andi %add3A_127, %and3A_129 : vector<16xi32>
      %bitcast3A_131 = vector.bitcast %and3A_130 : vector<16xi32> to vector<16xf32>
      %add3A_132 = arith.addi %mul3A_79, %mul3A_100 : i32
      %swap3A_133 = arith.index_cast %add3A_132 : i32 to index
      %swap3A_134 = tpu.vector_load %arg4[%swap3A_133] {strides = array<i32>} : memref<12288xf32, #tpu.memory_space<vmem>>, vector<16xf32>,
      tpu.vector_store %arg4[%swap3A_133], %bitcast3A_131 {strides = array<i32>} : memref<12288xf32, #tpu.memory_space<vmem>>, vector<16xf32>,
      %bitcast3A_135 = vector.bitcast %get3A_107 : vector<16xf32> to vector<16xi32>
      %shift_right_logical3A_136 = arith.constant 16 : i32
      %shift_right_logical3A_137 = vector.broadcast %shift_right_logical3A_136 : i32 to vector<16xi32>
      %shift_right_logical3A_138 = arith.shrui %bitcast3A_135, %shift_right_logical3A_137 : vector<16xi32>
      %and3A_139 = arith.constant 1 : i32
      %and3A_140 = vector.broadcast %and3A_139 : i32 to vector<16xi32>
      %and3A_141 = arith.andi %shift_right_logical3A_138, %and3A_140 : vector<16xi32>
      %add3A_142 = arith.constant 32767 : i32
      %add3A_143 = vector.broadcast %add3A_142 : i32 to vector<16xi32>
      %add3A_144 = arith.addi %bitcast3A_135, %add3A_143 : vector<16xi32>
      %add3A_145 = arith.addi %add3A_144, %and3A_141 : vector<16xi32>
      %and3A_146 = arith.constant -65536 : i32
      %and3A_147 = vector.broadcast %and3A_146 : i32 to vector<16xi32>
      %and3A_148 = arith.andi %add3A_145, %and3A_147 : vector<16xi32>
      %bitcast3A_149 = vector.bitcast %and3A_148 : vector<16xi32> to vector<16xf32>
      %add3A_150 = arith.constant 2048 : i32
      %add3A_151 = arith.addi %mul3A_79, %add3A_150 : i32
      %add3A_152 = arith.addi %add3A_151, %mul3A_100 : i32
      %swap3A_153 = arith.index_cast %add3A_152 : i32 to index
      %swap3A_154 = tpu.vector_load %arg4[%swap3A_153] {strides = array<i32>} : memref<12288xf32, #tpu.memory_space<vmem>>, vector<16xf32>,
      tpu.vector_store %arg4[%swap3A_153], %bitcast3A_149 {strides = array<i32>} : memref<12288xf32, #tpu.memory_space<vmem>>, vector<16xf32>,
      %bitcast3A_155 = vector.bitcast %get3A_112 : vector<16xf32> to vector<16xi32>
      %shift_right_logical3A_156 = arith.constant 16 : i32
      %shift_right_logical3A_157 = vector.broadcast %shift_right_logical3A_156 : i32 to vector<16xi32>
      %shift_right_logical3A_158 = arith.shrui %bitcast3A_155, %shift_right_logical3A_157 : vector<16xi32>
      %and3A_159 = arith.constant 1 : i32
      %and3A_160 = vector.broadcast %and3A_159 : i32 to vector<16xi32>
      %and3A_161 = arith.andi %shift_right_logical3A_158, %and3A_160 : vector<16xi32>
      %add3A_162 = arith.constant 32767 : i32
      %add3A_163 = vector.broadcast %add3A_162 : i32 to vector<16xi32>
      %add3A_164 = arith.addi %bitcast3A_155, %add3A_163 : vector<16xi32>
      %add3A_165 = arith.addi %add3A_164, %and3A_161 : vector<16xi32>
      %and3A_166 = arith.constant -65536 : i32
      %and3A_167 = vector.broadcast %and3A_166 : i32 to vector<16xi32>
      %and3A_168 = arith.andi %add3A_165, %and3A_167 : vector<16xi32>
      %bitcast3A_169 = vector.bitcast %and3A_168 : vector<16xi32> to vector<16xf32>
      %add3A_170 = arith.constant 4096 : i32
      %add3A_171 = arith.addi %mul3A_79, %add3A_170 : i32
      %add3A_172 = arith.addi %add3A_171, %mul3A_100 : i32
      %swap3A_173 = arith.index_cast %add3A_172 : i32 to index
      %swap3A_174 = tpu.vector_load %arg4[%swap3A_173] {strides = array<i32>} : memref<12288xf32, #tpu.memory_space<vmem>>, vector<16xf32>,
      tpu.vector_store %arg4[%swap3A_173], %bitcast3A_169 {strides = array<i32>} : memref<12288xf32, #tpu.memory_space<vmem>>, vector<16xf32>,
    }
    %scan3A_84 = arith.constant 128 : i32
    %scan3A_85 = arith.constant 0 : i32
    %scan3A_86 = arith.constant 0 : i32
    %scan3A_87 = arith.constant 8 : i32
    %scan3A_88 = arith.addi %scan3A_86, %scan3A_87 : i32
    %scan3A_89 = arith.constant 1 : i32
    scf.for %scan3A_98 = %scan3A_86 to %scan3A_88 step %scan3A_89  : i32 {
      %mul3A_99 = arith.constant 16 : i32
      %mul3A_100 = arith.muli %scan3A_98, %mul3A_99 : i32
      %add3A_101 = arith.addi %add3A_77, %mul3A_100 : i32
      %get3A = arith.index_cast %add3A_101 : i32 to index
      %get3A_102 = tpu.vector_load %arg4[%get3A] {strides = array<i32>} : memref<12288xf32, #tpu.memory_space<vmem>>, vector<16xf32>,
      %add3A_103 = arith.constant 2048 : i32
      %add3A_104 = arith.addi %add3A_77, %add3A_103 : i32
      %add3A_105 = arith.addi %add3A_104, %mul3A_100 : i32
      %get3A_106 = arith.index_cast %add3A_105 : i32 to index
      %get3A_107 = tpu.vector_load %arg4[%get3A_106] {strides = array<i32>} : memref<12288xf32, #tpu.memory_space<vmem>>, vector<16xf32>,
      %add3A_108 = arith.constant 4096 : i32
      %add3A_109 = arith.addi %add3A_77, %add3A_108 : i32
      %add3A_110 = arith.addi %add3A_109, %mul3A_100 : i32
      %get3A_111 = arith.index_cast %add3A_110 : i32 to index
      %get3A_112 = tpu.vector_load %arg4[%get3A_111] {strides = array<i32>} : memref<12288xf32, #tpu.memory_space<vmem>>, vector<16xf32>,
      %mul3A_113 = arith.mulf %get3A_102, %get3A_102 : vector<16xf32>
      %mul3A_114 = arith.mulf %get3A_107, %get3A_107 : vector<16xf32>
      %add3A_115 = arith.addf %mul3A_113, %mul3A_114 : vector<16xf32>
      %mul3A_116 = arith.mulf %get3A_112, %get3A_112 : vector<16xf32>
      %add3A_117 = arith.addf %add3A_115, %mul3A_116 : vector<16xf32>
      %swap3A = arith.index_cast %mul3A_100 : i32 to index
      %swap3A_118 = tpu.vector_load %arg5[%swap3A] {strides = array<i32>} : memref<128xf32, #tpu.memory_space<vmem>>, vector<16xf32>,
      tpu.vector_store %arg5[%swap3A], %add3A_117 {strides = array<i32>} : memref<128xf32, #tpu.memory_space<vmem>>, vector<16xf32>,
    }
    %scan3A_90 = arith.constant 8 : i32
    %broadcast_in_dim3A = arith.constant 0x7F800000 : f32
    %broadcast_in_dim3A_91 = vector.broadcast %broadcast_in_dim3A : f32 to vector<16xf32>
    %scan3A_92 = arith.constant 0 : i32
    %scan3A_93 = arith.constant 0 : i32
    %scan3A_94 = arith.constant 32 : i32
    %scan3A_95 = arith.addi %scan3A_93, %scan3A_94 : i32
    %scan3A_96 = arith.constant 1 : i32
    scf.for %scan3A_98 = %scan3A_93 to %scan3A_95 step %scan3A_96  : i32 {
      %mul3A_99 = arith.constant 4 : i32
      %mul3A_100 = arith.muli %scan3A_98, %mul3A_99 : i32
      %add3A_101 = arith.addi %add3A_77, %mul3A_100 : i32
      %add3A_102 = arith.constant 0 : i32
      %add3A_103 = arith.addi %add3A_101, %add3A_102 : i32
      %broadcast_in_dim3A_104 = vector.broadcast %add3A_103 : i32 to vector<16xi32>
      %gather3A = tpu.vector_load_idx %arg4[%broadcast_in_dim3A_104] : memref<12288xf32, #tpu.memory_space<vmem>>[vector<16xi32>], vector<16xf32>,
      %bitcast3A = vector.bitcast %gather3A : vector<16xf32> to vector<16xi32>
      %shift_right_logical3A = arith.constant 16 : i32
      %shift_right_logical3A_105 = vector.broadcast %shift_right_logical3A : i32 to vector<16xi32>
      %shift_right_logical3A_106 = arith.shrui %bitcast3A, %shift_right_logical3A_105 : vector<16xi32>
      %and3A_107 = arith.constant 1 : i32
      %and3A_108 = vector.broadcast %and3A_107 : i32 to vector<16xi32>
      %and3A_109 = arith.andi %shift_right_logical3A_106, %and3A_108 : vector<16xi32>
      %add3A_110 = arith.constant 32767 : i32
      %add3A_111 = vector.broadcast %add3A_110 : i32 to vector<16xi32>
      %add3A_112 = arith.addi %bitcast3A, %add3A_111 : vector<16xi32>
      %add3A_113 = arith.addi %add3A_112, %and3A_109 : vector<16xi32>
      %and3A_114 = arith.constant -65536 : i32
      %and3A_115 = vector.broadcast %and3A_114 : i32 to vector<16xi32>
      %and3A_116 = arith.andi %add3A_113, %and3A_115 : vector<16xi32>
      %bitcast3A_117 = vector.bitcast %and3A_116 : vector<16xi32> to vector<16xf32>
      %mul3A_118 = arith.constant -2.000000e+00 : f32
      %mul3A_119 = vector.broadcast %mul3A_118 : f32 to vector<16xf32>
      %mul3A_120 = arith.mulf %mul3A_119, %bitcast3A_117 : vector<16xf32>
      %add3A_121 = arith.constant 2048 : i32
      %add3A_122 = vector.broadcast %add3A_121 : i32 to vector<16xi32>
      %add3A_123 = arith.addi %broadcast_in_dim3A_104, %add3A_122 : vector<16xi32>
      %gather3A_124 = tpu.vector_load_idx %arg4[%add3A_123] : memref<12288xf32, #tpu.memory_space<vmem>>[vector<16xi32>], vector<16xf32>,
      %bitcast3A_125 = vector.bitcast %gather3A_124 : vector<16xf32> to vector<16xi32>
      %shift_right_logical3A_126 = arith.constant 16 : i32
      %shift_right_logical3A_127 = vector.broadcast %shift_right_logical3A_126 : i32 to vector<16xi32>
      %shift_right_logical3A_128 = arith.shrui %bitcast3A_125, %shift_right_logical3A_127 : vector<16xi32>
      %and3A_129 = arith.constant 1 : i32
      %and3A_130 = vector.broadcast %and3A_129 : i32 to vector<16xi32>
      %and3A_131 = arith.andi %shift_right_logical3A_128, %and3A_130 : vector<16xi32>
      %add3A_132 = arith.constant 32767 : i32
      %add3A_133 = vector.broadcast %add3A_132 : i32 to vector<16xi32>
      %add3A_134 = arith.addi %bitcast3A_125, %add3A_133 : vector<16xi32>
      %add3A_135 = arith.addi %add3A_134, %and3A_131 : vector<16xi32>
      %and3A_136 = arith.constant -65536 : i32
      %and3A_137 = vector.broadcast %and3A_136 : i32 to vector<16xi32>
      %and3A_138 = arith.andi %add3A_135, %and3A_137 : vector<16xi32>
      %bitcast3A_139 = vector.bitcast %and3A_138 : vector<16xi32> to vector<16xf32>
      %mul3A_140 = arith.constant -2.000000e+00 : f32
      %mul3A_141 = vector.broadcast %mul3A_140 : f32 to vector<16xf32>
      %mul3A_142 = arith.mulf %mul3A_141, %bitcast3A_139 : vector<16xf32>
      %add3A_143 = arith.constant 4096 : i32
      %add3A_144 = vector.broadcast %add3A_143 : i32 to vector<16xi32>
      %add3A_145 = arith.addi %broadcast_in_dim3A_104, %add3A_144 : vector<16xi32>
      %gather3A_146 = tpu.vector_load_idx %arg4[%add3A_145] : memref<12288xf32, #tpu.memory_space<vmem>>[vector<16xi32>], vector<16xf32>,
      %bitcast3A_147 = vector.bitcast %gather3A_146 : vector<16xf32> to vector<16xi32>
      %shift_right_logical3A_148 = arith.constant 16 : i32
      %shift_right_logical3A_149 = vector.broadcast %shift_right_logical3A_148 : i32 to vector<16xi32>
      %shift_right_logical3A_150 = arith.shrui %bitcast3A_147, %shift_right_logical3A_149 : vector<16xi32>
      %and3A_151 = arith.constant 1 : i32
      %and3A_152 = vector.broadcast %and3A_151 : i32 to vector<16xi32>
      %and3A_153 = arith.andi %shift_right_logical3A_150, %and3A_152 : vector<16xi32>
      %add3A_154 = arith.constant 32767 : i32
      %add3A_155 = vector.broadcast %add3A_154 : i32 to vector<16xi32>
      %add3A_156 = arith.addi %bitcast3A_147, %add3A_155 : vector<16xi32>
      %add3A_157 = arith.addi %add3A_156, %and3A_153 : vector<16xi32>
      %and3A_158 = arith.constant -65536 : i32
      %and3A_159 = vector.broadcast %and3A_158 : i32 to vector<16xi32>
      %and3A_160 = arith.andi %add3A_157, %and3A_159 : vector<16xi32>
      %bitcast3A_161 = vector.bitcast %and3A_160 : vector<16xi32> to vector<16xf32>
      %mul3A_162 = arith.constant -2.000000e+00 : f32
      %mul3A_163 = vector.broadcast %mul3A_162 : f32 to vector<16xf32>
      %mul3A_164 = arith.mulf %mul3A_163, %bitcast3A_161 : vector<16xf32>
      %add3A_165 = arith.constant 0 : i32
      %add3A_166 = arith.addi %mul3A_100, %add3A_165 : i32
      %broadcast_in_dim3A_167 = vector.broadcast %add3A_166 : i32 to vector<16xi32>
      %gather3A_168 = tpu.vector_load_idx %arg5[%broadcast_in_dim3A_167] : memref<128xf32, #tpu.memory_space<vmem>>[vector<16xi32>], vector<16xf32>,
      %add3A_169 = arith.addi %add3A_77, %mul3A_100 : i32
      %add3A_170 = arith.constant 1 : i32
      %add3A_171 = arith.addi %add3A_169, %add3A_170 : i32
      %broadcast_in_dim3A_172 = vector.broadcast %add3A_171 : i32 to vector<16xi32>
      %gather3A_173 = tpu.vector_load_idx %arg4[%broadcast_in_dim3A_172] : memref<12288xf32, #tpu.memory_space<vmem>>[vector<16xi32>], vector<16xf32>,
      %bitcast3A_174 = vector.bitcast %gather3A_173 : vector<16xf32> to vector<16xi32>
      %shift_right_logical3A_175 = arith.constant 16 : i32
      %shift_right_logical3A_176 = vector.broadcast %shift_right_logical3A_175 : i32 to vector<16xi32>
      %shift_right_logical3A_177 = arith.shrui %bitcast3A_174, %shift_right_logical3A_176 : vector<16xi32>
      %and3A_178 = arith.constant 1 : i32
      %and3A_179 = vector.broadcast %and3A_178 : i32 to vector<16xi32>
      %and3A_180 = arith.andi %shift_right_logical3A_177, %and3A_179 : vector<16xi32>
      %add3A_181 = arith.constant 32767 : i32
      %add3A_182 = vector.broadcast %add3A_181 : i32 to vector<16xi32>
      %add3A_183 = arith.addi %bitcast3A_174, %add3A_182 : vector<16xi32>
      %add3A_184 = arith.addi %add3A_183, %and3A_180 : vector<16xi32>
      %and3A_185 = arith.constant -65536 : i32
      %and3A_186 = vector.broadcast %and3A_185 : i32 to vector<16xi32>
      %and3A_187 = arith.andi %add3A_184, %and3A_186 : vector<16xi32>
      %bitcast3A_188 = vector.bitcast %and3A_187 : vector<16xi32> to vector<16xf32>
      %mul3A_189 = arith.constant -2.000000e+00 : f32
      %mul3A_190 = vector.broadcast %mul3A_189 : f32 to vector<16xf32>
      %mul3A_191 = arith.mulf %mul3A_190, %bitcast3A_188 : vector<16xf32>
      %add3A_192 = arith.constant 2048 : i32
      %add3A_193 = vector.broadcast %add3A_192 : i32 to vector<16xi32>
      %add3A_194 = arith.addi %broadcast_in_dim3A_172, %add3A_193 : vector<16xi32>
      %gather3A_195 = tpu.vector_load_idx %arg4[%add3A_194] : memref<12288xf32, #tpu.memory_space<vmem>>[vector<16xi32>], vector<16xf32>,
      %bitcast3A_196 = vector.bitcast %gather3A_195 : vector<16xf32> to vector<16xi32>
      %shift_right_logical3A_197 = arith.constant 16 : i32
      %shift_right_logical3A_198 = vector.broadcast %shift_right_logical3A_197 : i32 to vector<16xi32>
      %shift_right_logical3A_199 = arith.shrui %bitcast3A_196, %shift_right_logical3A_198 : vector<16xi32>
      %and3A_200 = arith.constant 1 : i32
      %and3A_201 = vector.broadcast %and3A_200 : i32 to vector<16xi32>
      %and3A_202 = arith.andi %shift_right_logical3A_199, %and3A_201 : vector<16xi32>
      %add3A_203 = arith.constant 32767 : i32
      %add3A_204 = vector.broadcast %add3A_203 : i32 to vector<16xi32>
      %add3A_205 = arith.addi %bitcast3A_196, %add3A_204 : vector<16xi32>
      %add3A_206 = arith.addi %add3A_205, %and3A_202 : vector<16xi32>
      %and3A_207 = arith.constant -65536 : i32
      %and3A_208 = vector.broadcast %and3A_207 : i32 to vector<16xi32>
      %and3A_209 = arith.andi %add3A_206, %and3A_208 : vector<16xi32>
      %bitcast3A_210 = vector.bitcast %and3A_209 : vector<16xi32> to vector<16xf32>
      %mul3A_211 = arith.constant -2.000000e+00 : f32
      %mul3A_212 = vector.broadcast %mul3A_211 : f32 to vector<16xf32>
      %mul3A_213 = arith.mulf %mul3A_212, %bitcast3A_210 : vector<16xf32>
      %add3A_214 = arith.constant 4096 : i32
      %add3A_215 = vector.broadcast %add3A_214 : i32 to vector<16xi32>
      %add3A_216 = arith.addi %broadcast_in_dim3A_172, %add3A_215 : vector<16xi32>
      %gather3A_217 = tpu.vector_load_idx %arg4[%add3A_216] : memref<12288xf32, #tpu.memory_space<vmem>>[vector<16xi32>], vector<16xf32>,
      %bitcast3A_218 = vector.bitcast %gather3A_217 : vector<16xf32> to vector<16xi32>
      %shift_right_logical3A_219 = arith.constant 16 : i32
      %shift_right_logical3A_220 = vector.broadcast %shift_right_logical3A_219 : i32 to vector<16xi32>
      %shift_right_logical3A_221 = arith.shrui %bitcast3A_218, %shift_right_logical3A_220 : vector<16xi32>
      %and3A_222 = arith.constant 1 : i32
      %and3A_223 = vector.broadcast %and3A_222 : i32 to vector<16xi32>
      %and3A_224 = arith.andi %shift_right_logical3A_221, %and3A_223 : vector<16xi32>
      %add3A_225 = arith.constant 32767 : i32
      %add3A_226 = vector.broadcast %add3A_225 : i32 to vector<16xi32>
      %add3A_227 = arith.addi %bitcast3A_218, %add3A_226 : vector<16xi32>
      %add3A_228 = arith.addi %add3A_227, %and3A_224 : vector<16xi32>
      %and3A_229 = arith.constant -65536 : i32
      %and3A_230 = vector.broadcast %and3A_229 : i32 to vector<16xi32>
      %and3A_231 = arith.andi %add3A_228, %and3A_230 : vector<16xi32>
      %bitcast3A_232 = vector.bitcast %and3A_231 : vector<16xi32> to vector<16xf32>
      %mul3A_233 = arith.constant -2.000000e+00 : f32
      %mul3A_234 = vector.broadcast %mul3A_233 : f32 to vector<16xf32>
      %mul3A_235 = arith.mulf %mul3A_234, %bitcast3A_232 : vector<16xf32>
      %add3A_236 = arith.constant 1 : i32
      %add3A_237 = arith.addi %mul3A_100, %add3A_236 : i32
      %broadcast_in_dim3A_238 = vector.broadcast %add3A_237 : i32 to vector<16xi32>
      %gather3A_239 = tpu.vector_load_idx %arg5[%broadcast_in_dim3A_238] : memref<128xf32, #tpu.memory_space<vmem>>[vector<16xi32>], vector<16xf32>,
      %add3A_240 = arith.addi %add3A_77, %mul3A_100 : i32
      %add3A_241 = arith.constant 2 : i32
      %add3A_242 = arith.addi %add3A_240, %add3A_241 : i32
      %broadcast_in_dim3A_243 = vector.broadcast %add3A_242 : i32 to vector<16xi32>
      %gather3A_244 = tpu.vector_load_idx %arg4[%broadcast_in_dim3A_243] : memref<12288xf32, #tpu.memory_space<vmem>>[vector<16xi32>], vector<16xf32>,
      %bitcast3A_245 = vector.bitcast %gather3A_244 : vector<16xf32> to vector<16xi32>
      %shift_right_logical3A_246 = arith.constant 16 : i32
      %shift_right_logical3A_247 = vector.broadcast %shift_right_logical3A_246 : i32 to vector<16xi32>
      %shift_right_logical3A_248 = arith.shrui %bitcast3A_245, %shift_right_logical3A_247 : vector<16xi32>
      %and3A_249 = arith.constant 1 : i32
      %and3A_250 = vector.broadcast %and3A_249 : i32 to vector<16xi32>
      %and3A_251 = arith.andi %shift_right_logical3A_248, %and3A_250 : vector<16xi32>
      %add3A_252 = arith.constant 32767 : i32
      %add3A_253 = vector.broadcast %add3A_252 : i32 to vector<16xi32>
      %add3A_254 = arith.addi %bitcast3A_245, %add3A_253 : vector<16xi32>
      %add3A_255 = arith.addi %add3A_254, %and3A_251 : vector<16xi32>
      %and3A_256 = arith.constant -65536 : i32
      %and3A_257 = vector.broadcast %and3A_256 : i32 to vector<16xi32>
      %and3A_258 = arith.andi %add3A_255, %and3A_257 : vector<16xi32>
      %bitcast3A_259 = vector.bitcast %and3A_258 : vector<16xi32> to vector<16xf32>
      %mul3A_260 = arith.constant -2.000000e+00 : f32
      %mul3A_261 = vector.broadcast %mul3A_260 : f32 to vector<16xf32>
      %mul3A_262 = arith.mulf %mul3A_261, %bitcast3A_259 : vector<16xf32>
      %add3A_263 = arith.constant 2048 : i32
      %add3A_264 = vector.broadcast %add3A_263 : i32 to vector<16xi32>
      %add3A_265 = arith.addi %broadcast_in_dim3A_243, %add3A_264 : vector<16xi32>
      %gather3A_266 = tpu.vector_load_idx %arg4[%add3A_265] : memref<12288xf32, #tpu.memory_space<vmem>>[vector<16xi32>], vector<16xf32>,
      %bitcast3A_267 = vector.bitcast %gather3A_266 : vector<16xf32> to vector<16xi32>
      %shift_right_logical3A_268 = arith.constant 16 : i32
      %shift_right_logical3A_269 = vector.broadcast %shift_right_logical3A_268 : i32 to vector<16xi32>
      %shift_right_logical3A_270 = arith.shrui %bitcast3A_267, %shift_right_logical3A_269 : vector<16xi32>
      %and3A_271 = arith.constant 1 : i32
      %and3A_272 = vector.broadcast %and3A_271 : i32 to vector<16xi32>
      %and3A_273 = arith.andi %shift_right_logical3A_270, %and3A_272 : vector<16xi32>
      %add3A_274 = arith.constant 32767 : i32
      %add3A_275 = vector.broadcast %add3A_274 : i32 to vector<16xi32>
      %add3A_276 = arith.addi %bitcast3A_267, %add3A_275 : vector<16xi32>
      %add3A_277 = arith.addi %add3A_276, %and3A_273 : vector<16xi32>
      %and3A_278 = arith.constant -65536 : i32
      %and3A_279 = vector.broadcast %and3A_278 : i32 to vector<16xi32>
      %and3A_280 = arith.andi %add3A_277, %and3A_279 : vector<16xi32>
      %bitcast3A_281 = vector.bitcast %and3A_280 : vector<16xi32> to vector<16xf32>
      %mul3A_282 = arith.constant -2.000000e+00 : f32
      %mul3A_283 = vector.broadcast %mul3A_282 : f32 to vector<16xf32>
      %mul3A_284 = arith.mulf %mul3A_283, %bitcast3A_281 : vector<16xf32>
      %add3A_285 = arith.constant 4096 : i32
      %add3A_286 = vector.broadcast %add3A_285 : i32 to vector<16xi32>
      %add3A_287 = arith.addi %broadcast_in_dim3A_243, %add3A_286 : vector<16xi32>
      %gather3A_288 = tpu.vector_load_idx %arg4[%add3A_287] : memref<12288xf32, #tpu.memory_space<vmem>>[vector<16xi32>], vector<16xf32>,
      %bitcast3A_289 = vector.bitcast %gather3A_288 : vector<16xf32> to vector<16xi32>
      %shift_right_logical3A_290 = arith.constant 16 : i32
      %shift_right_logical3A_291 = vector.broadcast %shift_right_logical3A_290 : i32 to vector<16xi32>
      %shift_right_logical3A_292 = arith.shrui %bitcast3A_289, %shift_right_logical3A_291 : vector<16xi32>
      %and3A_293 = arith.constant 1 : i32
      %and3A_294 = vector.broadcast %and3A_293 : i32 to vector<16xi32>
      %and3A_295 = arith.andi %shift_right_logical3A_292, %and3A_294 : vector<16xi32>
      %add3A_296 = arith.constant 32767 : i32
      %add3A_297 = vector.broadcast %add3A_296 : i32 to vector<16xi32>
      %add3A_298 = arith.addi %bitcast3A_289, %add3A_297 : vector<16xi32>
      %add3A_299 = arith.addi %add3A_298, %and3A_295 : vector<16xi32>
      %and3A_300 = arith.constant -65536 : i32
      %and3A_301 = vector.broadcast %and3A_300 : i32 to vector<16xi32>
      %and3A_302 = arith.andi %add3A_299, %and3A_301 : vector<16xi32>
      %bitcast3A_303 = vector.bitcast %and3A_302 : vector<16xi32> to vector<16xf32>
      %mul3A_304 = arith.constant -2.000000e+00 : f32
      %mul3A_305 = vector.broadcast %mul3A_304 : f32 to vector<16xf32>
      %mul3A_306 = arith.mulf %mul3A_305, %bitcast3A_303 : vector<16xf32>
      %add3A_307 = arith.constant 2 : i32
      %add3A_308 = arith.addi %mul3A_100, %add3A_307 : i32
      %broadcast_in_dim3A_309 = vector.broadcast %add3A_308 : i32 to vector<16xi32>
      %gather3A_310 = tpu.vector_load_idx %arg5[%broadcast_in_dim3A_309] : memref<128xf32, #tpu.memory_space<vmem>>[vector<16xi32>], vector<16xf32>,
      %add3A_311 = arith.addi %add3A_77, %mul3A_100 : i32
      %add3A_312 = arith.constant 3 : i32
      %add3A_313 = arith.addi %add3A_311, %add3A_312 : i32
      %broadcast_in_dim3A_314 = vector.broadcast %add3A_313 : i32 to vector<16xi32>
      %gather3A_315 = tpu.vector_load_idx %arg4[%broadcast_in_dim3A_314] : memref<12288xf32, #tpu.memory_space<vmem>>[vector<16xi32>], vector<16xf32>,
      %bitcast3A_316 = vector.bitcast %gather3A_315 : vector<16xf32> to vector<16xi32>
      %shift_right_logical3A_317 = arith.constant 16 : i32
      %shift_right_logical3A_318 = vector.broadcast %shift_right_logical3A_317 : i32 to vector<16xi32>
      %shift_right_logical3A_319 = arith.shrui %bitcast3A_316, %shift_right_logical3A_318 : vector<16xi32>
      %and3A_320 = arith.constant 1 : i32
      %and3A_321 = vector.broadcast %and3A_320 : i32 to vector<16xi32>
      %and3A_322 = arith.andi %shift_right_logical3A_319, %and3A_321 : vector<16xi32>
      %add3A_323 = arith.constant 32767 : i32
      %add3A_324 = vector.broadcast %add3A_323 : i32 to vector<16xi32>
      %add3A_325 = arith.addi %bitcast3A_316, %add3A_324 : vector<16xi32>
      %add3A_326 = arith.addi %add3A_325, %and3A_322 : vector<16xi32>
      %and3A_327 = arith.constant -65536 : i32
      %and3A_328 = vector.broadcast %and3A_327 : i32 to vector<16xi32>
      %and3A_329 = arith.andi %add3A_326, %and3A_328 : vector<16xi32>
      %bitcast3A_330 = vector.bitcast %and3A_329 : vector<16xi32> to vector<16xf32>
      %mul3A_331 = arith.constant -2.000000e+00 : f32
      %mul3A_332 = vector.broadcast %mul3A_331 : f32 to vector<16xf32>
      %mul3A_333 = arith.mulf %mul3A_332, %bitcast3A_330 : vector<16xf32>
      %add3A_334 = arith.constant 2048 : i32
      %add3A_335 = vector.broadcast %add3A_334 : i32 to vector<16xi32>
      %add3A_336 = arith.addi %broadcast_in_dim3A_314, %add3A_335 : vector<16xi32>
      %gather3A_337 = tpu.vector_load_idx %arg4[%add3A_336] : memref<12288xf32, #tpu.memory_space<vmem>>[vector<16xi32>], vector<16xf32>,
      %bitcast3A_338 = vector.bitcast %gather3A_337 : vector<16xf32> to vector<16xi32>
      %shift_right_logical3A_339 = arith.constant 16 : i32
      %shift_right_logical3A_340 = vector.broadcast %shift_right_logical3A_339 : i32 to vector<16xi32>
      %shift_right_logical3A_341 = arith.shrui %bitcast3A_338, %shift_right_logical3A_340 : vector<16xi32>
      %and3A_342 = arith.constant 1 : i32
      %and3A_343 = vector.broadcast %and3A_342 : i32 to vector<16xi32>
      %and3A_344 = arith.andi %shift_right_logical3A_341, %and3A_343 : vector<16xi32>
      %add3A_345 = arith.constant 32767 : i32
      %add3A_346 = vector.broadcast %add3A_345 : i32 to vector<16xi32>
      %add3A_347 = arith.addi %bitcast3A_338, %add3A_346 : vector<16xi32>
      %add3A_348 = arith.addi %add3A_347, %and3A_344 : vector<16xi32>
      %and3A_349 = arith.constant -65536 : i32
      %and3A_350 = vector.broadcast %and3A_349 : i32 to vector<16xi32>
      %and3A_351 = arith.andi %add3A_348, %and3A_350 : vector<16xi32>
      %bitcast3A_352 = vector.bitcast %and3A_351 : vector<16xi32> to vector<16xf32>
      %mul3A_353 = arith.constant -2.000000e+00 : f32
      %mul3A_354 = vector.broadcast %mul3A_353 : f32 to vector<16xf32>
      %mul3A_355 = arith.mulf %mul3A_354, %bitcast3A_352 : vector<16xf32>
      %add3A_356 = arith.constant 4096 : i32
      %add3A_357 = vector.broadcast %add3A_356 : i32 to vector<16xi32>
      %add3A_358 = arith.addi %broadcast_in_dim3A_314, %add3A_357 : vector<16xi32>
      %gather3A_359 = tpu.vector_load_idx %arg4[%add3A_358] : memref<12288xf32, #tpu.memory_space<vmem>>[vector<16xi32>], vector<16xf32>,
      %bitcast3A_360 = vector.bitcast %gather3A_359 : vector<16xf32> to vector<16xi32>
      %shift_right_logical3A_361 = arith.constant 16 : i32
      %shift_right_logical3A_362 = vector.broadcast %shift_right_logical3A_361 : i32 to vector<16xi32>
      %shift_right_logical3A_363 = arith.shrui %bitcast3A_360, %shift_right_logical3A_362 : vector<16xi32>
      %and3A_364 = arith.constant 1 : i32
      %and3A_365 = vector.broadcast %and3A_364 : i32 to vector<16xi32>
      %and3A_366 = arith.andi %shift_right_logical3A_363, %and3A_365 : vector<16xi32>
      %add3A_367 = arith.constant 32767 : i32
      %add3A_368 = vector.broadcast %add3A_367 : i32 to vector<16xi32>
      %add3A_369 = arith.addi %bitcast3A_360, %add3A_368 : vector<16xi32>
      %add3A_370 = arith.addi %add3A_369, %and3A_366 : vector<16xi32>
      %and3A_371 = arith.constant -65536 : i32
      %and3A_372 = vector.broadcast %and3A_371 : i32 to vector<16xi32>
      %and3A_373 = arith.andi %add3A_370, %and3A_372 : vector<16xi32>
      %bitcast3A_374 = vector.bitcast %and3A_373 : vector<16xi32> to vector<16xf32>
      %mul3A_375 = arith.constant -2.000000e+00 : f32
      %mul3A_376 = vector.broadcast %mul3A_375 : f32 to vector<16xf32>
      %mul3A_377 = arith.mulf %mul3A_376, %bitcast3A_374 : vector<16xf32>
      %add3A_378 = arith.constant 3 : i32
      %add3A_379 = arith.addi %mul3A_100, %add3A_378 : i32
      %broadcast_in_dim3A_380 = vector.broadcast %add3A_379 : i32 to vector<16xi32>
      %gather3A_381 = tpu.vector_load_idx %arg5[%broadcast_in_dim3A_380] : memref<128xf32, #tpu.memory_space<vmem>>[vector<16xi32>], vector<16xf32>,
      %scan3A_382 = arith.constant 0 : i32
      %scan3A_383 = arith.constant 32 : i32
      %scan3A_384 = arith.addi %scan3A_382, %scan3A_383 : i32
      %scan3A_385 = arith.constant 1 : i32
      %scan3A_386:4 = scf.for %scan3A_426 = %scan3A_382 to %scan3A_384 step %scan3A_385 iter_args(%scan3A_427 = %broadcast_in_dim3A_91, %scan3A_428 = %broadcast_in_dim3A_91, %scan3A_429 = %broadcast_in_dim3A_91, %scan3A_430 = %broadcast_in_dim3A_91) -> (vector<16xf32>, vector<16xf32>, vector<16xf32>, vector<16xf32>)  : i32 {
        %mul3A_431 = arith.constant 4 : i32
        %mul3A_432 = arith.muli %scan3A_426, %mul3A_431 : i32
        %add3A_433 = arith.constant 0 : i32
        %add3A_434 = arith.addi %mul3A_432, %add3A_433 : i32
        %mul3A_435 = arith.constant 16 : i32
        %mul3A_436 = arith.muli %add3A_434, %mul3A_435 : i32
        %add3A_437 = arith.addi %mul3A_79, %mul3A_436 : i32
        %get3A = arith.index_cast %add3A_437 : i32 to index
        %get3A_438 = tpu.vector_load %arg4[%get3A] {strides = array<i32>} : memref<12288xf32, #tpu.memory_space<vmem>>, vector<16xf32>,
        %add3A_439 = arith.constant 2048 : i32
        %add3A_440 = arith.addi %mul3A_79, %add3A_439 : i32
        %add3A_441 = arith.addi %add3A_440, %mul3A_436 : i32
        %get3A_442 = arith.index_cast %add3A_441 : i32 to index
        %get3A_443 = tpu.vector_load %arg4[%get3A_442] {strides = array<i32>} : memref<12288xf32, #tpu.memory_space<vmem>>, vector<16xf32>,
        %add3A_444 = arith.constant 4096 : i32
        %add3A_445 = arith.addi %mul3A_79, %add3A_444 : i32
        %add3A_446 = arith.addi %add3A_445, %mul3A_436 : i32
        %get3A_447 = arith.index_cast %add3A_446 : i32 to index
        %get3A_448 = tpu.vector_load %arg4[%get3A_447] {strides = array<i32>} : memref<12288xf32, #tpu.memory_space<vmem>>, vector<16xf32>,
        %get3A_449 = arith.index_cast %mul3A_436 : i32 to index
        %get3A_450 = tpu.vector_load %arg6[%get3A_449] {strides = array<i32>} : memref<2048xf32, #tpu.memory_space<vmem>>, vector<16xf32>,
        %mul3A_451 = arith.mulf %mul3A_120, %get3A_438 : vector<16xf32>
        %add3A_452 = arith.addf %get3A_450, %mul3A_451 : vector<16xf32>
        %mul3A_453 = arith.mulf %mul3A_142, %get3A_443 : vector<16xf32>
        %add3A_454 = arith.addf %add3A_452, %mul3A_453 : vector<16xf32>
        %mul3A_455 = arith.mulf %mul3A_164, %get3A_448 : vector<16xf32>
        %add3A_456 = arith.addf %add3A_454, %mul3A_455 : vector<16xf32>
        %min3A = arith.minimumf %scan3A_427, %add3A_456 : vector<16xf32>
        %mul3A_457 = arith.mulf %mul3A_191, %get3A_438 : vector<16xf32>
        %add3A_458 = arith.addf %get3A_450, %mul3A_457 : vector<16xf32>
        %mul3A_459 = arith.mulf %mul3A_213, %get3A_443 : vector<16xf32>
        %add3A_460 = arith.addf %add3A_458, %mul3A_459 : vector<16xf32>
        %mul3A_461 = arith.mulf %mul3A_235, %get3A_448 : vector<16xf32>
        %add3A_462 = arith.addf %add3A_460, %mul3A_461 : vector<16xf32>
        %min3A_463 = arith.minimumf %scan3A_428, %add3A_462 : vector<16xf32>
        %mul3A_464 = arith.mulf %mul3A_262, %get3A_438 : vector<16xf32>
        %add3A_465 = arith.addf %get3A_450, %mul3A_464 : vector<16xf32>
        %mul3A_466 = arith.mulf %mul3A_284, %get3A_443 : vector<16xf32>
        %add3A_467 = arith.addf %add3A_465, %mul3A_466 : vector<16xf32>
        %mul3A_468 = arith.mulf %mul3A_306, %get3A_448 : vector<16xf32>
        %add3A_469 = arith.addf %add3A_467, %mul3A_468 : vector<16xf32>
        %min3A_470 = arith.minimumf %scan3A_429, %add3A_469 : vector<16xf32>
        %mul3A_471 = arith.mulf %mul3A_333, %get3A_438 : vector<16xf32>
        %add3A_472 = arith.addf %get3A_450, %mul3A_471 : vector<16xf32>
        %mul3A_473 = arith.mulf %mul3A_355, %get3A_443 : vector<16xf32>
        %add3A_474 = arith.addf %add3A_472, %mul3A_473 : vector<16xf32>
        %mul3A_475 = arith.mulf %mul3A_377, %get3A_448 : vector<16xf32>
        %add3A_476 = arith.addf %add3A_474, %mul3A_475 : vector<16xf32>
        %min3A_477 = arith.minimumf %scan3A_430, %add3A_476 : vector<16xf32>
        %mul3A_478 = arith.constant 4 : i32
        %mul3A_479 = arith.muli %scan3A_426, %mul3A_478 : i32
        %add3A_480 = arith.constant 1 : i32
        %add3A_481 = arith.addi %mul3A_479, %add3A_480 : i32
        %mul3A_482 = arith.constant 16 : i32
        %mul3A_483 = arith.muli %add3A_481, %mul3A_482 : i32
        %add3A_484 = arith.addi %mul3A_79, %mul3A_483 : i32
        %get3A_485 = arith.index_cast %add3A_484 : i32 to index
        %get3A_486 = tpu.vector_load %arg4[%get3A_485] {strides = array<i32>} : memref<12288xf32, #tpu.memory_space<vmem>>, vector<16xf32>,
        %add3A_487 = arith.constant 2048 : i32
        %add3A_488 = arith.addi %mul3A_79, %add3A_487 : i32
        %add3A_489 = arith.addi %add3A_488, %mul3A_483 : i32
        %get3A_490 = arith.index_cast %add3A_489 : i32 to index
        %get3A_491 = tpu.vector_load %arg4[%get3A_490] {strides = array<i32>} : memref<12288xf32, #tpu.memory_space<vmem>>, vector<16xf32>,
        %add3A_492 = arith.constant 4096 : i32
        %add3A_493 = arith.addi %mul3A_79, %add3A_492 : i32
        %add3A_494 = arith.addi %add3A_493, %mul3A_483 : i32
        %get3A_495 = arith.index_cast %add3A_494 : i32 to index
        %get3A_496 = tpu.vector_load %arg4[%get3A_495] {strides = array<i32>} : memref<12288xf32, #tpu.memory_space<vmem>>, vector<16xf32>,
        %get3A_497 = arith.index_cast %mul3A_483 : i32 to index
        %get3A_498 = tpu.vector_load %arg6[%get3A_497] {strides = array<i32>} : memref<2048xf32, #tpu.memory_space<vmem>>, vector<16xf32>,
        %mul3A_499 = arith.mulf %mul3A_120, %get3A_486 : vector<16xf32>
        %add3A_500 = arith.addf %get3A_498, %mul3A_499 : vector<16xf32>
        %mul3A_501 = arith.mulf %mul3A_142, %get3A_491 : vector<16xf32>
        %add3A_502 = arith.addf %add3A_500, %mul3A_501 : vector<16xf32>
        %mul3A_503 = arith.mulf %mul3A_164, %get3A_496 : vector<16xf32>
        %add3A_504 = arith.addf %add3A_502, %mul3A_503 : vector<16xf32>
        %min3A_505 = arith.minimumf %min3A, %add3A_504 : vector<16xf32>
        %mul3A_506 = arith.mulf %mul3A_191, %get3A_486 : vector<16xf32>
        %add3A_507 = arith.addf %get3A_498, %mul3A_506 : vector<16xf32>
        %mul3A_508 = arith.mulf %mul3A_213, %get3A_491 : vector<16xf32>
        %add3A_509 = arith.addf %add3A_507, %mul3A_508 : vector<16xf32>
        %mul3A_510 = arith.mulf %mul3A_235, %get3A_496 : vector<16xf32>
        %add3A_511 = arith.addf %add3A_509, %mul3A_510 : vector<16xf32>
        %min3A_512 = arith.minimumf %min3A_463, %add3A_511 : vector<16xf32>
        %mul3A_513 = arith.mulf %mul3A_262, %get3A_486 : vector<16xf32>
        %add3A_514 = arith.addf %get3A_498, %mul3A_513 : vector<16xf32>
        %mul3A_515 = arith.mulf %mul3A_284, %get3A_491 : vector<16xf32>
        %add3A_516 = arith.addf %add3A_514, %mul3A_515 : vector<16xf32>
        %mul3A_517 = arith.mulf %mul3A_306, %get3A_496 : vector<16xf32>
        %add3A_518 = arith.addf %add3A_516, %mul3A_517 : vector<16xf32>
        %min3A_519 = arith.minimumf %min3A_470, %add3A_518 : vector<16xf32>
        %mul3A_520 = arith.mulf %mul3A_333, %get3A_486 : vector<16xf32>
        %add3A_521 = arith.addf %get3A_498, %mul3A_520 : vector<16xf32>
        %mul3A_522 = arith.mulf %mul3A_355, %get3A_491 : vector<16xf32>
        %add3A_523 = arith.addf %add3A_521, %mul3A_522 : vector<16xf32>
        %mul3A_524 = arith.mulf %mul3A_377, %get3A_496 : vector<16xf32>
        %add3A_525 = arith.addf %add3A_523, %mul3A_524 : vector<16xf32>
        %min3A_526 = arith.minimumf %min3A_477, %add3A_525 : vector<16xf32>
        %mul3A_527 = arith.constant 4 : i32
        %mul3A_528 = arith.muli %scan3A_426, %mul3A_527 : i32
        %add3A_529 = arith.constant 2 : i32
        %add3A_530 = arith.addi %mul3A_528, %add3A_529 : i32
        %mul3A_531 = arith.constant 16 : i32
        %mul3A_532 = arith.muli %add3A_530, %mul3A_531 : i32
        %add3A_533 = arith.addi %mul3A_79, %mul3A_532 : i32
        %get3A_534 = arith.index_cast %add3A_533 : i32 to index
        %get3A_535 = tpu.vector_load %arg4[%get3A_534] {strides = array<i32>} : memref<12288xf32, #tpu.memory_space<vmem>>, vector<16xf32>,
        %add3A_536 = arith.constant 2048 : i32
        %add3A_537 = arith.addi %mul3A_79, %add3A_536 : i32
        %add3A_538 = arith.addi %add3A_537, %mul3A_532 : i32
        %get3A_539 = arith.index_cast %add3A_538 : i32 to index
        %get3A_540 = tpu.vector_load %arg4[%get3A_539] {strides = array<i32>} : memref<12288xf32, #tpu.memory_space<vmem>>, vector<16xf32>,
        %add3A_541 = arith.constant 4096 : i32
        %add3A_542 = arith.addi %mul3A_79, %add3A_541 : i32
        %add3A_543 = arith.addi %add3A_542, %mul3A_532 : i32
        %get3A_544 = arith.index_cast %add3A_543 : i32 to index
        %get3A_545 = tpu.vector_load %arg4[%get3A_544] {strides = array<i32>} : memref<12288xf32, #tpu.memory_space<vmem>>, vector<16xf32>,
        %get3A_546 = arith.index_cast %mul3A_532 : i32 to index
        %get3A_547 = tpu.vector_load %arg6[%get3A_546] {strides = array<i32>} : memref<2048xf32, #tpu.memory_space<vmem>>, vector<16xf32>,
        %mul3A_548 = arith.mulf %mul3A_120, %get3A_535 : vector<16xf32>
        %add3A_549 = arith.addf %get3A_547, %mul3A_548 : vector<16xf32>
        %mul3A_550 = arith.mulf %mul3A_142, %get3A_540 : vector<16xf32>
        %add3A_551 = arith.addf %add3A_549, %mul3A_550 : vector<16xf32>
        %mul3A_552 = arith.mulf %mul3A_164, %get3A_545 : vector<16xf32>
        %add3A_553 = arith.addf %add3A_551, %mul3A_552 : vector<16xf32>
        %min3A_554 = arith.minimumf %min3A_505, %add3A_553 : vector<16xf32>
        %mul3A_555 = arith.mulf %mul3A_191, %get3A_535 : vector<16xf32>
        %add3A_556 = arith.addf %get3A_547, %mul3A_555 : vector<16xf32>
        %mul3A_557 = arith.mulf %mul3A_213, %get3A_540 : vector<16xf32>
        %add3A_558 = arith.addf %add3A_556, %mul3A_557 : vector<16xf32>
        %mul3A_559 = arith.mulf %mul3A_235, %get3A_545 : vector<16xf32>
        %add3A_560 = arith.addf %add3A_558, %mul3A_559 : vector<16xf32>
        %min3A_561 = arith.minimumf %min3A_512, %add3A_560 : vector<16xf32>
        %mul3A_562 = arith.mulf %mul3A_262, %get3A_535 : vector<16xf32>
        %add3A_563 = arith.addf %get3A_547, %mul3A_562 : vector<16xf32>
        %mul3A_564 = arith.mulf %mul3A_284, %get3A_540 : vector<16xf32>
        %add3A_565 = arith.addf %add3A_563, %mul3A_564 : vector<16xf32>
        %mul3A_566 = arith.mulf %mul3A_306, %get3A_545 : vector<16xf32>
        %add3A_567 = arith.addf %add3A_565, %mul3A_566 : vector<16xf32>
        %min3A_568 = arith.minimumf %min3A_519, %add3A_567 : vector<16xf32>
        %mul3A_569 = arith.mulf %mul3A_333, %get3A_535 : vector<16xf32>
        %add3A_570 = arith.addf %get3A_547, %mul3A_569 : vector<16xf32>
        %mul3A_571 = arith.mulf %mul3A_355, %get3A_540 : vector<16xf32>
        %add3A_572 = arith.addf %add3A_570, %mul3A_571 : vector<16xf32>
        %mul3A_573 = arith.mulf %mul3A_377, %get3A_545 : vector<16xf32>
        %add3A_574 = arith.addf %add3A_572, %mul3A_573 : vector<16xf32>
        %min3A_575 = arith.minimumf %min3A_526, %add3A_574 : vector<16xf32>
        %mul3A_576 = arith.constant 4 : i32
        %mul3A_577 = arith.muli %scan3A_426, %mul3A_576 : i32
        %add3A_578 = arith.constant 3 : i32
        %add3A_579 = arith.addi %mul3A_577, %add3A_578 : i32
        %mul3A_580 = arith.constant 16 : i32
        %mul3A_581 = arith.muli %add3A_579, %mul3A_580 : i32
        %add3A_582 = arith.addi %mul3A_79, %mul3A_581 : i32
        %get3A_583 = arith.index_cast %add3A_582 : i32 to index
        %get3A_584 = tpu.vector_load %arg4[%get3A_583] {strides = array<i32>} : memref<12288xf32, #tpu.memory_space<vmem>>, vector<16xf32>,
        %add3A_585 = arith.constant 2048 : i32
        %add3A_586 = arith.addi %mul3A_79, %add3A_585 : i32
        %add3A_587 = arith.addi %add3A_586, %mul3A_581 : i32
        %get3A_588 = arith.index_cast %add3A_587 : i32 to index
        %get3A_589 = tpu.vector_load %arg4[%get3A_588] {strides = array<i32>} : memref<12288xf32, #tpu.memory_space<vmem>>, vector<16xf32>,
        %add3A_590 = arith.constant 4096 : i32
        %add3A_591 = arith.addi %mul3A_79, %add3A_590 : i32
        %add3A_592 = arith.addi %add3A_591, %mul3A_581 : i32
        %get3A_593 = arith.index_cast %add3A_592 : i32 to index
        %get3A_594 = tpu.vector_load %arg4[%get3A_593] {strides = array<i32>} : memref<12288xf32, #tpu.memory_space<vmem>>, vector<16xf32>,
        %get3A_595 = arith.index_cast %mul3A_581 : i32 to index
        %get3A_596 = tpu.vector_load %arg6[%get3A_595] {strides = array<i32>} : memref<2048xf32, #tpu.memory_space<vmem>>, vector<16xf32>,
        %mul3A_597 = arith.mulf %mul3A_120, %get3A_584 : vector<16xf32>
        %add3A_598 = arith.addf %get3A_596, %mul3A_597 : vector<16xf32>
        %mul3A_599 = arith.mulf %mul3A_142, %get3A_589 : vector<16xf32>
        %add3A_600 = arith.addf %add3A_598, %mul3A_599 : vector<16xf32>
        %mul3A_601 = arith.mulf %mul3A_164, %get3A_594 : vector<16xf32>
        %add3A_602 = arith.addf %add3A_600, %mul3A_601 : vector<16xf32>
        %min3A_603 = arith.minimumf %min3A_554, %add3A_602 : vector<16xf32>
        %mul3A_604 = arith.mulf %mul3A_191, %get3A_584 : vector<16xf32>
        %add3A_605 = arith.addf %get3A_596, %mul3A_604 : vector<16xf32>
        %mul3A_606 = arith.mulf %mul3A_213, %get3A_589 : vector<16xf32>
        %add3A_607 = arith.addf %add3A_605, %mul3A_606 : vector<16xf32>
        %mul3A_608 = arith.mulf %mul3A_235, %get3A_594 : vector<16xf32>
        %add3A_609 = arith.addf %add3A_607, %mul3A_608 : vector<16xf32>
        %min3A_610 = arith.minimumf %min3A_561, %add3A_609 : vector<16xf32>
        %mul3A_611 = arith.mulf %mul3A_262, %get3A_584 : vector<16xf32>
        %add3A_612 = arith.addf %get3A_596, %mul3A_611 : vector<16xf32>
        %mul3A_613 = arith.mulf %mul3A_284, %get3A_589 : vector<16xf32>
        %add3A_614 = arith.addf %add3A_612, %mul3A_613 : vector<16xf32>
        %mul3A_615 = arith.mulf %mul3A_306, %get3A_594 : vector<16xf32>
        %add3A_616 = arith.addf %add3A_614, %mul3A_615 : vector<16xf32>
        %min3A_617 = arith.minimumf %min3A_568, %add3A_616 : vector<16xf32>
        %mul3A_618 = arith.mulf %mul3A_333, %get3A_584 : vector<16xf32>
        %add3A_619 = arith.addf %get3A_596, %mul3A_618 : vector<16xf32>
        %mul3A_620 = arith.mulf %mul3A_355, %get3A_589 : vector<16xf32>
        %add3A_621 = arith.addf %add3A_619, %mul3A_620 : vector<16xf32>
        %mul3A_622 = arith.mulf %mul3A_377, %get3A_594 : vector<16xf32>
        %add3A_623 = arith.addf %add3A_621, %mul3A_622 : vector<16xf32>
        %min3A_624 = arith.minimumf %min3A_575, %add3A_623 : vector<16xf32>
        scf.yield %min3A_603, %min3A_610, %min3A_617, %min3A_624 : vector<16xf32>, vector<16xf32>, vector<16xf32>, vector<16xf32>
      }
      %scan3A_387 = arith.constant 32 : i32
      %iota3A = tpu.iota {dimensions = array<i32: 0>} : vector<16xi32>
      %eq3A_388 = arith.constant 0 : i32
      %eq3A_389 = vector.broadcast %eq3A_388 : i32 to vector<16xi32>
      %eq3A_390 = arith.cmpi eq, %iota3A, %eq3A_389 : vector<16xi32>
      %add3A_391 = arith.addf %scan3A_386#0, %gather3A_168 : vector<16xf32>
      %reduce_min3A = arith.constant true
      %reduce_min3A_392 = vector.broadcast %reduce_min3A : i1 to vector<16xi1>
      %reduce_min3A_393 = tpu.scan <min>, %add3A_391 masked %reduce_min3A_392 : vector<16xf32>, vector<16xi1> -> vector<16xf32>
      %reduce_min3A_394 = vector.extract %reduce_min3A_393[15] : f32 from vector<16xf32>
      %add3A_395 = arith.constant 0 : i32
      %add3A_396 = arith.addi %mul3A_100, %add3A_395 : i32
      %broadcast_in_dim3A_397 = vector.broadcast %add3A_396 : i32 to vector<16xi32>
      %broadcast_in_dim3A_398 = vector.broadcast %reduce_min3A_394 : f32 to vector<16xf32>
      tpu.vector_store_idx %arg7[%broadcast_in_dim3A_397], %broadcast_in_dim3A_398 masked %eq3A_390 : memref<128xf32, #tpu.memory_space<vmem>>[vector<16xi32>], vector<16xf32>, vector<16xi1>
      %add3A_399 = arith.addf %scan3A_386#1, %gather3A_239 : vector<16xf32>
      %reduce_min3A_400 = arith.constant true
      %reduce_min3A_401 = vector.broadcast %reduce_min3A_400 : i1 to vector<16xi1>
      %reduce_min3A_402 = tpu.scan <min>, %add3A_399 masked %reduce_min3A_401 : vector<16xf32>, vector<16xi1> -> vector<16xf32>
      %reduce_min3A_403 = vector.extract %reduce_min3A_402[15] : f32 from vector<16xf32>
      %add3A_404 = arith.constant 1 : i32
      %add3A_405 = arith.addi %mul3A_100, %add3A_404 : i32
      %broadcast_in_dim3A_406 = vector.broadcast %add3A_405 : i32 to vector<16xi32>
      %broadcast_in_dim3A_407 = vector.broadcast %reduce_min3A_403 : f32 to vector<16xf32>
      tpu.vector_store_idx %arg7[%broadcast_in_dim3A_406], %broadcast_in_dim3A_407 masked %eq3A_390 : memref<128xf32, #tpu.memory_space<vmem>>[vector<16xi32>], vector<16xf32>, vector<16xi1>
      %add3A_408 = arith.addf %scan3A_386#2, %gather3A_310 : vector<16xf32>
      %reduce_min3A_409 = arith.constant true
      %reduce_min3A_410 = vector.broadcast %reduce_min3A_409 : i1 to vector<16xi1>
      %reduce_min3A_411 = tpu.scan <min>, %add3A_408 masked %reduce_min3A_410 : vector<16xf32>, vector<16xi1> -> vector<16xf32>
      %reduce_min3A_412 = vector.extract %reduce_min3A_411[15] : f32 from vector<16xf32>
      %add3A_413 = arith.constant 2 : i32
      %add3A_414 = arith.addi %mul3A_100, %add3A_413 : i32
      %broadcast_in_dim3A_415 = vector.broadcast %add3A_414 : i32 to vector<16xi32>
      %broadcast_in_dim3A_416 = vector.broadcast %reduce_min3A_412 : f32 to vector<16xf32>
      tpu.vector_store_idx %arg7[%broadcast_in_dim3A_415], %broadcast_in_dim3A_416 masked %eq3A_390 : memref<128xf32, #tpu.memory_space<vmem>>[vector<16xi32>], vector<16xf32>, vector<16xi1>
      %add3A_417 = arith.addf %scan3A_386#3, %gather3A_381 : vector<16xf32>
      %reduce_min3A_418 = arith.constant true
      %reduce_min3A_419 = vector.broadcast %reduce_min3A_418 : i1 to vector<16xi1>
      %reduce_min3A_420 = tpu.scan <min>, %add3A_417 masked %reduce_min3A_419 : vector<16xf32>, vector<16xi1> -> vector<16xf32>
      %reduce_min3A_421 = vector.extract %reduce_min3A_420[15] : f32 from vector<16xf32>
      %add3A_422 = arith.constant 3 : i32
      %add3A_423 = arith.addi %mul3A_100, %add3A_422 : i32
      %broadcast_in_dim3A_424 = vector.broadcast %add3A_423 : i32 to vector<16xi32>
      %broadcast_in_dim3A_425 = vector.broadcast %reduce_min3A_421 : f32 to vector<16xf32>
      tpu.vector_store_idx %arg7[%broadcast_in_dim3A_424], %broadcast_in_dim3A_425 masked %eq3A_390 : memref<128xf32, #tpu.memory_space<vmem>>[vector<16xi32>], vector<16xf32>, vector<16xi1>
    }
    %scan3A_97 = arith.constant 32 : i32
    "tpu.region"() ({
      %run_scoped3A = tpu.sem_alloc : memref<!tpu.dma_semaphore, #tpu.memory_space<semaphore_mem>>
      %dma_start3A = tpu.memref_slice %arg3[%select_n3A, %select_n3A_54, %mul3A_72] : memref<2x1x2048xf32, #tpu.memory_space<hbm>> -> memref<1x1x128xf32, #tpu.memory_space<hbm>>
      %dma_start3A_98 = tpu.memref_squeeze %dma_start3A : memref<1x1x128xf32, #tpu.memory_space<hbm>> -> memref<128xf32, #tpu.memory_space<hbm>>
      %dma_start3A_99 = tpu.memref_slice %arg3[%select_n3A, %select_n3A_54, %mul3A_72] : memref<2x1x2048xf32, #tpu.memory_space<hbm>> -> memref<1x1x128xf32, #tpu.memory_space<hbm>>
      %dma_start3A_100 = tpu.memref_squeeze %dma_start3A_99 : memref<1x1x128xf32, #tpu.memory_space<hbm>> -> memref<128xf32, #tpu.memory_space<hbm>>
      tpu.enqueue_dma source(%arg7 : memref<128xf32, #tpu.memory_space<vmem>>) target(%dma_start3A_100 : memref<128xf32, #tpu.memory_space<hbm>>) target_semaphore(%run_scoped3A : memref<!tpu.dma_semaphore, #tpu.memory_space<semaphore_mem>>)
      %dma_wait3A = tpu.memref_slice %arg3[%select_n3A, %select_n3A_54, %mul3A_72] : memref<2x1x2048xf32, #tpu.memory_space<hbm>> -> memref<1x1x128xf32, #tpu.memory_space<hbm>>
      %dma_wait3A_101 = tpu.memref_squeeze %dma_wait3A : memref<1x1x128xf32, #tpu.memory_space<hbm>> -> memref<128xf32, #tpu.memory_space<hbm>>
      %dma_wait3A_102 = tpu.memref_slice %arg3[%select_n3A, %select_n3A_54, %mul3A_72] : memref<2x1x2048xf32, #tpu.memory_space<hbm>> -> memref<1x1x128xf32, #tpu.memory_space<hbm>>
      %dma_wait3A_103 = tpu.memref_squeeze %dma_wait3A_102 : memref<1x1x128xf32, #tpu.memory_space<hbm>> -> memref<128xf32, #tpu.memory_space<hbm>>
      tpu.wait_dma2 semaphore(%run_scoped3A : memref<!tpu.dma_semaphore, #tpu.memory_space<semaphore_mem>>) src(%arg7 : memref<128xf32, #tpu.memory_space<vmem>>) dst(%dma_wait3A_103 : memref<128xf32, #tpu.memory_space<hbm>>)
      tpu.yield
    }) : () -> ()
    return
  }
}

module attributes {stable_mosaic.version = 14 : i64} {
  func.func @_tc_body(%arg0: memref<7x2048x3xf32, #tpu.memory_space<vmem>>, %arg1: memref<7x3x2048xf32, #tpu.memory_space<vmem>>, %arg2: memref<7x1x2048xf32, #tpu.memory_space<vmem>>, %arg3: memref<7x1x2048xf32, #tpu.memory_space<vmem>>) attributes {dimension_semantics = [], scalar_prefetch = 0 : i64, scratch_operands = 0 : i64, tpu.core_type = #tpu.core_type<tc>} {
    %scan3A = arith.constant 0 : i32
    %scan3A_0 = arith.constant 7 : i32
    %scan3A_1 = arith.addi %scan3A, %scan3A_0 : i32
    %scan3A_2 = arith.constant 1 : i32
    scf.for %scan3A_4 = %scan3A to %scan3A_1 step %scan3A_2  : i32 {
      %get3A = arith.index_cast %scan3A_4 : i32 to index
      %get3A_5 = arith.constant 0 : index
      %get3A_6 = arith.constant 0 : index
      %get3A_7 = vector.load %arg0[%get3A, %get3A_5, %get3A_6] : memref<7x2048x3xf32, #tpu.memory_space<vmem>>, vector<1x2048x3xf32>
      %get3A_8 = vector.shape_cast %get3A_7 : vector<1x2048x3xf32> to vector<2048x3xf32>
      %get3A_9 = arith.index_cast %scan3A_4 : i32 to index
      %get3A_10 = arith.constant 0 : index
      %get3A_11 = arith.constant 0 : index
      %get3A_12 = vector.load %arg1[%get3A_9, %get3A_10, %get3A_11] : memref<7x3x2048xf32, #tpu.memory_space<vmem>>, vector<1x3x2048xf32>
      %get3A_13 = vector.shape_cast %get3A_12 : vector<1x3x2048xf32> to vector<3x2048xf32>
      %mul3A = arith.mulf %get3A_8, %get3A_8 : vector<2048x3xf32>
      %reduce_sum3A = arith.constant dense<0.000000e+00> : vector<2048xf32>
      %reduce_sum3A_14 = vector.multi_reduction <add>, %mul3A, %reduce_sum3A [1] : vector<2048x3xf32> to vector<2048xf32>
      %broadcast_in_dim3A = vector.shape_cast %reduce_sum3A_14 : vector<2048xf32> to vector<2048x1xf32>
      %mul3A_15 = arith.mulf %get3A_13, %get3A_13 : vector<3x2048xf32>
      %reduce_sum3A_16 = arith.constant dense<0.000000e+00> : vector<2048xf32>
      %reduce_sum3A_17 = vector.multi_reduction <add>, %mul3A_15, %reduce_sum3A_16 [0] : vector<3x2048xf32> to vector<2048xf32>
      %broadcast_in_dim3A_18 = vector.shape_cast %reduce_sum3A_17 : vector<2048xf32> to vector<1x2048xf32>
      %convert_element_type3A = arith.truncf %broadcast_in_dim3A_18 : vector<1x2048xf32> to vector<1x2048xbf16>
      %convert_element_type3A_19 = arith.extf %convert_element_type3A : vector<1x2048xbf16> to vector<1x2048xf32>
      %sub3A = arith.subf %broadcast_in_dim3A_18, %convert_element_type3A_19 : vector<1x2048xf32>
      %convert_element_type3A_20 = arith.truncf %sub3A : vector<1x2048xf32> to vector<1x2048xbf16>
      %convert_element_type3A_21 = arith.extf %convert_element_type3A_20 : vector<1x2048xbf16> to vector<1x2048xf32>
      %sub3A_22 = arith.subf %sub3A, %convert_element_type3A_21 : vector<1x2048xf32>
      %convert_element_type3A_23 = arith.truncf %sub3A_22 : vector<1x2048xf32> to vector<1x2048xbf16>
      %mul3A_24 = arith.constant -2.000000e+00 : f32
      %mul3A_25 = vector.broadcast %mul3A_24 : f32 to vector<2048x3xf32>
      %mul3A_26 = arith.mulf %mul3A_25, %get3A_8 : vector<2048x3xf32>
      %convert_element_type3A_27 = arith.truncf %mul3A_26 : vector<2048x3xf32> to vector<2048x3xbf16>
      %broadcast_in_dim3A_28 = arith.constant 1.000000e+00 : bf16
      %broadcast_in_dim3A_29 = vector.broadcast %broadcast_in_dim3A_28 : bf16 to vector<2048x3xbf16>
      %concatenate3A = tpu.concatenate %convert_element_type3A_27, %broadcast_in_dim3A_29 in 1 : vector<2048x3xbf16>, vector<2048x3xbf16> -> vector<2048x6xbf16>
      %convert_element_type3A_30 = arith.truncf %get3A_13 : vector<3x2048xf32> to vector<3x2048xbf16>
      %concatenate3A_31 = tpu.concatenate %convert_element_type3A_30, %convert_element_type3A, %convert_element_type3A_20, %convert_element_type3A_23 in 0 : vector<3x2048xbf16>, vector<1x2048xbf16>, vector<1x2048xbf16>, vector<1x2048xbf16> -> vector<6x2048xbf16>
      %slice3A = vector.extract_strided_slice %concatenate3A_31 {offsets = [0, 0], sizes = [6, 512], strides = [1, 1]} : vector<6x2048xbf16> to vector<6x512xbf16>
      %dot_general3A = arith.constant dense<0.000000e+00> : vector<2048x512xf32>
      %dot_general3A_32 = tpu.matmul %concatenate3A, %slice3A, %dot_general3A {dimension_numbers = #tpu.dot_dimension_numbers<[1], [0], [0], [1], [0, 0, 1, 1], [], []>, transpose_lhs_hint = false} : vector<2048x6xbf16>, vector<6x512xbf16>, vector<2048x512xf32> -> vector<2048x512xf32>
      %slice3A_33 = vector.extract_strided_slice %concatenate3A_31 {offsets = [0, 512], sizes = [6, 512], strides = [1, 1]} : vector<6x2048xbf16> to vector<6x512xbf16>
      %dot_general3A_34 = arith.constant dense<0.000000e+00> : vector<2048x512xf32>
      %dot_general3A_35 = tpu.matmul %concatenate3A, %slice3A_33, %dot_general3A_34 {dimension_numbers = #tpu.dot_dimension_numbers<[1], [0], [0], [1], [0, 0, 1, 1], [], []>, transpose_lhs_hint = false} : vector<2048x6xbf16>, vector<6x512xbf16>, vector<2048x512xf32> -> vector<2048x512xf32>
      %reduce_min3A = arith.constant dense<0x7F800000> : vector<2048xf32>
      %reduce_min3A_36 = vector.multi_reduction <minimumf>, %dot_general3A_32, %reduce_min3A [1] : vector<2048x512xf32> to vector<2048xf32>
      %add3A = vector.broadcast %broadcast_in_dim3A : vector<2048x1xf32> to vector<2048x512xf32>
      %add3A_37 = arith.addf %dot_general3A_32, %add3A : vector<2048x512xf32>
      %reduce_min3A_38 = arith.constant dense<0x7F800000> : vector<512xf32>
      %reduce_min3A_39 = vector.multi_reduction <minimumf>, %add3A_37, %reduce_min3A_38 [0] : vector<2048x512xf32> to vector<512xf32>
      %swap3A = arith.index_cast %scan3A_4 : i32 to index
      %swap3A_40 = arith.constant 0 : index
      %swap3A_41 = arith.constant 0 : index
      %swap3A_42 = vector.load %arg3[%swap3A, %swap3A_40, %swap3A_41] : memref<7x1x2048xf32, #tpu.memory_space<vmem>>, vector<1x1x512xf32>
      %swap3A_43 = vector.shape_cast %swap3A_42 : vector<1x1x512xf32> to vector<512xf32>
      %swap3A_44 = vector.shape_cast %reduce_min3A_39 : vector<512xf32> to vector<1x1x512xf32>
      tpu.vector_store %arg3[%swap3A, %swap3A_40, %swap3A_41], %swap3A_44 {strides = array<i32>} : memref<7x1x2048xf32, #tpu.memory_space<vmem>>, vector<1x1x512xf32>,
      %slice3A_45 = vector.extract_strided_slice %concatenate3A_31 {offsets = [0, 1024], sizes = [6, 512], strides = [1, 1]} : vector<6x2048xbf16> to vector<6x512xbf16>
      %dot_general3A_46 = arith.constant dense<0.000000e+00> : vector<2048x512xf32>
      %dot_general3A_47 = tpu.matmul %concatenate3A, %slice3A_45, %dot_general3A_46 {dimension_numbers = #tpu.dot_dimension_numbers<[1], [0], [0], [1], [0, 0, 1, 1], [], []>, transpose_lhs_hint = false} : vector<2048x6xbf16>, vector<6x512xbf16>, vector<2048x512xf32> -> vector<2048x512xf32>
      %reduce_min3A_48 = arith.constant dense<0x7F800000> : vector<2048xf32>
      %reduce_min3A_49 = vector.multi_reduction <minimumf>, %dot_general3A_35, %reduce_min3A_48 [1] : vector<2048x512xf32> to vector<2048xf32>
      %min3A = arith.minimumf %reduce_min3A_36, %reduce_min3A_49 : vector<2048xf32>
      %add3A_50 = vector.broadcast %broadcast_in_dim3A : vector<2048x1xf32> to vector<2048x512xf32>
      %add3A_51 = arith.addf %dot_general3A_35, %add3A_50 : vector<2048x512xf32>
      %reduce_min3A_52 = arith.constant dense<0x7F800000> : vector<512xf32>
      %reduce_min3A_53 = vector.multi_reduction <minimumf>, %add3A_51, %reduce_min3A_52 [0] : vector<2048x512xf32> to vector<512xf32>
      %swap3A_54 = arith.index_cast %scan3A_4 : i32 to index
      %swap3A_55 = arith.constant 0 : index
      %swap3A_56 = arith.constant 512 : index
      %swap3A_57 = vector.load %arg3[%swap3A_54, %swap3A_55, %swap3A_56] : memref<7x1x2048xf32, #tpu.memory_space<vmem>>, vector<1x1x512xf32>
      %swap3A_58 = vector.shape_cast %swap3A_57 : vector<1x1x512xf32> to vector<512xf32>
      %swap3A_59 = vector.shape_cast %reduce_min3A_53 : vector<512xf32> to vector<1x1x512xf32>
      tpu.vector_store %arg3[%swap3A_54, %swap3A_55, %swap3A_56], %swap3A_59 {strides = array<i32>} : memref<7x1x2048xf32, #tpu.memory_space<vmem>>, vector<1x1x512xf32>,
      %slice3A_60 = vector.extract_strided_slice %concatenate3A_31 {offsets = [0, 1536], sizes = [6, 512], strides = [1, 1]} : vector<6x2048xbf16> to vector<6x512xbf16>
      %dot_general3A_61 = arith.constant dense<0.000000e+00> : vector<2048x512xf32>
      %dot_general3A_62 = tpu.matmul %concatenate3A, %slice3A_60, %dot_general3A_61 {dimension_numbers = #tpu.dot_dimension_numbers<[1], [0], [0], [1], [0, 0, 1, 1], [], []>, transpose_lhs_hint = false} : vector<2048x6xbf16>, vector<6x512xbf16>, vector<2048x512xf32> -> vector<2048x512xf32>
      %reduce_min3A_63 = arith.constant dense<0x7F800000> : vector<2048xf32>
      %reduce_min3A_64 = vector.multi_reduction <minimumf>, %dot_general3A_47, %reduce_min3A_63 [1] : vector<2048x512xf32> to vector<2048xf32>
      %min3A_65 = arith.minimumf %min3A, %reduce_min3A_64 : vector<2048xf32>
      %add3A_66 = vector.broadcast %broadcast_in_dim3A : vector<2048x1xf32> to vector<2048x512xf32>
      %add3A_67 = arith.addf %dot_general3A_47, %add3A_66 : vector<2048x512xf32>
      %reduce_min3A_68 = arith.constant dense<0x7F800000> : vector<512xf32>
      %reduce_min3A_69 = vector.multi_reduction <minimumf>, %add3A_67, %reduce_min3A_68 [0] : vector<2048x512xf32> to vector<512xf32>
      %swap3A_70 = arith.index_cast %scan3A_4 : i32 to index
      %swap3A_71 = arith.constant 0 : index
      %swap3A_72 = arith.constant 1024 : index
      %swap3A_73 = vector.load %arg3[%swap3A_70, %swap3A_71, %swap3A_72] : memref<7x1x2048xf32, #tpu.memory_space<vmem>>, vector<1x1x512xf32>
      %swap3A_74 = vector.shape_cast %swap3A_73 : vector<1x1x512xf32> to vector<512xf32>
      %swap3A_75 = vector.shape_cast %reduce_min3A_69 : vector<512xf32> to vector<1x1x512xf32>
      tpu.vector_store %arg3[%swap3A_70, %swap3A_71, %swap3A_72], %swap3A_75 {strides = array<i32>} : memref<7x1x2048xf32, #tpu.memory_space<vmem>>, vector<1x1x512xf32>,
      %reduce_min3A_76 = arith.constant dense<0x7F800000> : vector<2048xf32>
      %reduce_min3A_77 = vector.multi_reduction <minimumf>, %dot_general3A_62, %reduce_min3A_76 [1] : vector<2048x512xf32> to vector<2048xf32>
      %min3A_78 = arith.minimumf %min3A_65, %reduce_min3A_77 : vector<2048xf32>
      %add3A_79 = vector.broadcast %broadcast_in_dim3A : vector<2048x1xf32> to vector<2048x512xf32>
      %add3A_80 = arith.addf %dot_general3A_62, %add3A_79 : vector<2048x512xf32>
      %reduce_min3A_81 = arith.constant dense<0x7F800000> : vector<512xf32>
      %reduce_min3A_82 = vector.multi_reduction <minimumf>, %add3A_80, %reduce_min3A_81 [0] : vector<2048x512xf32> to vector<512xf32>
      %swap3A_83 = arith.index_cast %scan3A_4 : i32 to index
      %swap3A_84 = arith.constant 0 : index
      %swap3A_85 = arith.constant 1536 : index
      %swap3A_86 = vector.load %arg3[%swap3A_83, %swap3A_84, %swap3A_85] : memref<7x1x2048xf32, #tpu.memory_space<vmem>>, vector<1x1x512xf32>
      %swap3A_87 = vector.shape_cast %swap3A_86 : vector<1x1x512xf32> to vector<512xf32>
      %swap3A_88 = vector.shape_cast %reduce_min3A_82 : vector<512xf32> to vector<1x1x512xf32>
      tpu.vector_store %arg3[%swap3A_83, %swap3A_84, %swap3A_85], %swap3A_88 {strides = array<i32>} : memref<7x1x2048xf32, #tpu.memory_space<vmem>>, vector<1x1x512xf32>,
      %squeeze3A = vector.shape_cast %broadcast_in_dim3A : vector<2048x1xf32> to vector<2048xf32>
      %add3A_89 = arith.addf %min3A_78, %squeeze3A : vector<2048xf32>
      %swap3A_90 = arith.index_cast %scan3A_4 : i32 to index
      %swap3A_91 = arith.constant 0 : index
      %swap3A_92 = arith.constant 0 : index
      %swap3A_93 = vector.load %arg2[%swap3A_90, %swap3A_91, %swap3A_92] : memref<7x1x2048xf32, #tpu.memory_space<vmem>>, vector<1x1x2048xf32>
      %swap3A_94 = vector.shape_cast %swap3A_93 : vector<1x1x2048xf32> to vector<2048xf32>
      %swap3A_95 = vector.shape_cast %add3A_89 : vector<2048xf32> to vector<1x1x2048xf32>
      tpu.vector_store %arg2[%swap3A_90, %swap3A_91, %swap3A_92], %swap3A_95 {strides = array<i32>} : memref<7x1x2048xf32, #tpu.memory_space<vmem>>, vector<1x1x2048xf32>,
    }
    %scan3A_3 = arith.constant 7 : i32
    return
  }
}

</mosaic_0001>

<sc_bundles>
// kernel: kernel.4.cloned.1.call-start
scs
__scs_entry_jumppad:
0x0: {  	(pc) =	sbr.rel $0x88, $3  }
0x1: {  	(tag) =	ssettag $0x0;
	lr =	simm.s32 $0x1  }
0x2: {  	[smem:$0x3F9F] =	sst lr;
	_ =	strace $0xD0000000  }
0x3: {  	_ = 	snop  }
0x4: {  	_ = 	snop  }
0x5: {  	_ = 	snop  }
0x6: {  	_ = 	snop  }
0x7: {  	_ = 	snop  }
__scs_overlays_trampoline_lowered:
0x8: {  	[smem:$0x3FAE] =	sst s0  }
0x9: {  	[smem:$0x3FAF] =	sst s1  }
0xa: {  	[smem:$0x3FB0] =	sst s2  }
0xb: {  	[smem:$0x3FB1] =	sst s3  }
0xc: {  	[smem:$0x3FB2] =	sst s4  }
0xd: {  	[smem:$0x3FB3] =	sst s5  }
0xe: {  	[smem:$0x3FB4] =	sst s6  }
0xf: {  	[smem:$0x3FB5] =	sst s7  }
0x10: {  	[smem:$0x3FB6] =	sst s8  }
0x11: {  	[smem:$0x3FB7] =	sst s9;
	s0 =	simm.s32 @!p0 $0x0  }
0x12: {  	s1 =	sld [smem:$0x3F9D];
	s0 =	simm.s32 @p0 $0x1  }
0x13: {  	[smem:$0x3FB8] =	sst s0;
	s0 =	simm.s32 @!p1 $0x0  }
0x14: {  	s2 =	sld [smem:$0x3F9C];
	s0 =	simm.s32 @p1 $0x1  }
0x15: {  	[smem:$0x3FB9] =	sst s0;
	s0 =	simm.s32 @!p2 $0x0  }
0x16: {  	s3 =	sld [smem:$0x3FDB];
	s0 =	simm.s32 @p2 $0x1  }
0x17: {  	s4 =	simm.s32 $0x1BF5;
	[smem:$0x3FBB] =	sst s0  }
0x18: {  	s0 =	sld [smem:$0x3F9E];
	_ =	swait.ge [sflag:s4], $0x0  }
0x19: {  	s7 =	sld [smem:$0x3F9F]  }
0x1a: {  	s8 =	sadd.s32 $0xFFFFE003, lr  }
0x1b: {  	s9 =	sadd.s32 $0xFFFFFEF7, lr;
	s5 =	simm.s32 $0xFFFFFFFF;
	p2 =	slt.u32 s8, $0xFFFFF086  }
0x1c: {  	p1 =	slt.u32 s9, $0xF7A;
	s5 =	simm.s32 @!p2 $0x0  }
0x1d: {  	s5 =	simm.s32 @p1 $0x1;
	p0 =	seq.s32 s7, s2  }
0x1e: {  	s7 =	smul.u32 @!p0 $0xF7A, s2;
	p2 =	seq.s32 @!p0 s5, $0x0  }
0x1f: {  	s9 =	smul.u32 $0xF7A, s1;
	s8 =	simm.s32 @!p0 $0x1BF5;
	p2 =	por !p2, p0  }
0x20: {  	[sflag:s8] =	ssyncset.s32 @!p0 $0xFFFFF086;
	s6 =	sadd.s32 @!p0 s3, s7;
	s7 =	simm.s32 @!p0 $0x108  }
0x21: {  	s3 =	sadd.s32 s3, s9;
	s6 =	sadd.s32 @!p0 $0x88, s6;
	s7 =	simm.s32 @p2 $0x1082  }
0x22: {  	[simem:s7], [sflag:s8] =	dma.local @!p0 [hbm:s6], $0xF7A  }
0x23: {  	s9 =	sor.u32 $0xD0000000, s2;
	s6 =	simm.s32 $0x108;
	_ =	swait.ge @!p0 [sflag:s8], $0x0  }
0x24: {  	s3 =	sadd.s32 $0x88, s3;
	s6 =	simm.s32 @!p1 $0x1082;
	[sflag:s4] =	ssyncset.s32 $0xFFFFF086  }
0x25: {  	[simem:s6], [sflag:s4] =	dma.local [hbm:s3], $0xF7A  }
0x26: {  	[smem:$0x3F9F] =	sst s1;
	(tag) =	ssettag s2;
	_ =	strace s9  }
0x27: {  	s1 =	sld [smem:$0x3FAF]  }
0x28: {  	s2 =	sld [smem:$0x3FB0]  }
0x29: {  	s4 =	sld [smem:$0x3FB2]  }
0x2a: {  	p0 =	seq.s32 s5, $0x0;
	s5 =	sld [smem:$0x3FB3]  }
0x2b: {  	s6 =	sld [smem:$0x3FB4]  }
0x2c: {  	s7 =	sld [smem:$0x3FB5]  }
0x2d: {  	s3 =	simm.s32 $0x108;
	s8 =	sld [smem:$0x3FB6]  }
0x2e: {  	s3 =	simm.s32 @!p0 $0x1082;
	s9 =	sld [smem:$0x3FB7]  }
0x2f: {  	lr =	sadd.s32 s0, s3;
	s0 =	sld [smem:$0x3FAE]  }
0x30: {  	s3 =	sld [smem:$0x3FB1]  }
0x31: {  	[smem:$0x3FBA] =	sst s10  }
0x32: {  	s10 =	sld [smem:$0x3FB8];
	_ =	sdelay $0x3  }
0x33: {  	p0 =	seq.s32 s10, $0x1;
	s10 =	sld [smem:$0x3FBA];
	_ =	sdelay $0x3  }
0x34: {  	[smem:$0x3FBA] =	sst s10  }
0x35: {  	s10 =	sld [smem:$0x3FB9];
	_ =	sdelay $0x3  }
0x36: {  	p1 =	seq.s32 s10, $0x1;
	s10 =	sld [smem:$0x3FBA];
	_ =	sdelay $0x3  }
0x37: {  	[smem:$0x3FBA] =	sst s10  }
0x38: {  	s10 =	sld [smem:$0x3FBB]  }
0x39: {  	_ = 	snop;
	(pc) =	sbr.ind lr, $3  }
0x3a: {  	_ = 	snop  }
0x3b: {  	_ = 	snop  }
0x3c: {  	p2 =	seq.s32 s10, $0x1;
	s10 =	sld [smem:$0x3FBA]  }
0x3d: {  	_ =	shalt  }
0x3e: {  	_ =	shalt  }
0x3f: {  	_ =	shalt  }
0x40: {  	_ =	shalt  }
0x41: {  	_ =	shalt  }
0x42: {  	_ =	shalt  }
0x43: {  	_ =	shalt  }
0x44: {  	_ =	shalt  }
0x45: {  	_ =	shalt  }
0x46: {  	_ =	shalt  }
0x47: {  	_ =	shalt  }
0x48: {  	_ =	shalt  }
0x49: {  	_ =	shalt  }
0x4a: {  	_ =	shalt  }
0x4b: {  	_ =	shalt  }
0x4c: {  	_ =	shalt  }
0x4d: {  	_ =	shalt  }
0x4e: {  	_ =	shalt  }
0x4f: {  	_ =	shalt  }
0x50: {  	_ =	shalt  }
0x51: {  	_ =	shalt  }
0x52: {  	_ =	shalt  }
0x53: {  	_ =	shalt  }
0x54: {  	_ =	shalt  }
0x55: {  	_ =	shalt  }
0x56: {  	_ =	shalt  }
0x57: {  	_ =	shalt  }
0x58: {  	_ =	shalt  }
0x59: {  	_ =	shalt  }
0x5a: {  	_ =	shalt  }
0x5b: {  	_ =	shalt  }
0x5c: {  	_ =	shalt  }
0x5d: {  	_ =	shalt  }
0x5e: {  	_ =	shalt  }
0x5f: {  	_ =	shalt  }
0x60: {  	_ =	shalt  }
0x61: {  	_ =	shalt  }
0x62: {  	_ =	shalt  }
0x63: {  	_ =	shalt  }
0x64: {  	_ =	shalt  }
0x65: {  	_ =	shalt  }
0x66: {  	_ =	shalt  }
0x67: {  	_ =	shalt  }
0x68: {  	_ =	shalt  }
0x69: {  	_ =	shalt  }
0x6a: {  	_ =	shalt  }
0x6b: {  	_ =	shalt  }
0x6c: {  	_ =	shalt  }
0x6d: {  	_ =	shalt  }
0x6e: {  	_ =	shalt  }
0x6f: {  	_ =	shalt  }
0x70: {  	_ =	shalt  }
0x71: {  	_ =	shalt  }
0x72: {  	_ =	shalt  }
0x73: {  	_ =	shalt  }
0x74: {  	_ =	shalt  }
0x75: {  	_ =	shalt  }
0x76: {  	_ =	shalt  }
0x77: {  	_ =	shalt  }
0x78: {  	_ =	shalt  }
0x79: {  	_ =	shalt  }
0x7a: {  	_ =	shalt  }
0x7b: {  	_ =	shalt  }
0x7c: {  	_ =	shalt  }
0x7d: {  	_ =	shalt  }
0x7e: {  	_ =	shalt  }
0x7f: {  	_ =	shalt  }
0x80: {  	_ =	shalt  }
0x81: {  	_ =	shalt  }
0x82: {  	_ =	shalt  }
0x83: {  	_ =	shalt  }
0x84: {  	_ =	shalt  }
0x85: {  	_ =	shalt  }
0x86: {  	_ =	shalt  }
0x87: {  	_ =	shalt  }
.Lfunc_end0:
.L_simem_size_0:
called_computation_lowered:
.L_overlay_start_0:
0x88: {  	s2 =	sld [smem:$0x3FD9]  }
0x89: {  	s3 =	sld [smem:$0x3FFE];
	_ =	sdelay $0x1  }
0x8a: {  	s1 =	srdreg.scid  }
0x8b: {  	s0 =	sand.u32 $0x1, s1  }
0x8c: {  	s15 =	sshll.u32 s0, $0xA;
	s2 =	sadd.s32 s3, s2  }
0x8d: {  	s2 =	sadd.s32 s2, s15  }
0x8e: {  	[smem:$0x3FC6] =	sst s2  }
0x8f: {  	_ = 	snop  }
0x90: {  	s2 =	sld [smem:$0x3FD0];
	_ =	sdelay $0x2  }
0x91: {  	s16 =	simm.s32 $0xA;
	s4 =	simm.s32 $0x10  }
0x92: {  	[smem:s4], [sflag:s16] =	dma.local [hbm:s2], $0x1  }
0x93: {  	_ =	swait.eq [sflag:s16], $0x1  }
0x94: {  	[sflag:s16] =	ssyncset.done $0x0  }
0x95: {  	s17 =	sld [smem:$0x10];
	[sflag:s16] =	ssyncadd.s32 $0xFFFFFFFF  }
0x96: {  	s18 =	sld [smem:$0x11];
	(tm) =	ssettm $0x1  }
0x97: {  	s19 =	sld [smem:$0x3FFB];
	_ =	sdelay $0x3  }
0x98: {  	_ =	strace s19  }
0x99: {  	s4 =	sld [smem:$0x3FFC];
	_ =	sdelay $0x3  }
0x9a: {  	_ =	strace s4  }
0x9b: {  	s4 =	sld [smem:$0x3FFD];
	_ =	sdelay $0x3  }
0x9c: {  	_ =	strace s4  }
0x9d: {  	_ =	strace $0x8FFFFFFF  }
0x9e: {  	s20 =	sld [smem:$0x3FDB];
	_ =	sdelay $0x1  }
0x9f: {  	s5 =	simm.s32 $_scs_section_size  }
0xa0: {  	s6 =	simm.s32 $_size__tile_overlayer_lowered;
	s7 =	simm.s32 $_tile_overlayer_lowered  }
0xa1: {  	s23 =	simm.s32 $0x1BFF;
	s22 =	sshll.u32 s7, $0x1;
	s4 =	sadd.s32 s5, s20  }
0xa2: {  	s8 =	simm.s32 $0x0;
	s21 =	sshll.u32 s6, $0x1;
	s6 =	sadd.s32 s22, s4  }
0xa3: {  	[timem:s8], [sflag:s23] =	dma.local [hbm:s6], s21  }
0xa4: {  	_ =	swait.ge [sflag:s23], s21  }
0xa5: {  	s5 =	ssub.s32 $0x0, s21;
	[sflag:s23] =	ssyncset.done $0x0  }
0xa6: {  	[sflag:s23] =	ssyncadd.s32 s5;
	_ =	sdelay $0x1  }
0xa7: {  	s24 =	simm.s32 $0x1B8B  }
0xa8: {  	_ =	swait.ge [sflag:s24], $0x1  }
0xa9: {  	[sflag:s24] =	ssyncset.done $0x0  }
0xaa: {  	s25 =	simm.s32 $0x1B8E;
	[sflag:s24] =	ssyncadd.s32 $0xFFFFFFFF  }
0xab: {  	s26 =	simm.s32 $execute0_lowered;
	[smem:$0x3FD2] =	sst s25  }
0xac: {  	s5 =	sshll.u32 s26, $0x1;
	_ =	strace $0x80000046;
	[dreg:$0x1] =	wrdreg $0xFFFFFFFF  }
0xad: {  	s28 =	simm.s32 $_size_execute0_lowered;
	s4 =	sadd.s32 s4, s5;
	[dreg:$0x0] =	wrdreg $0x0  }
0xae: {  	s5 =	sshll.u32 s28, $0x1;
	[dreg:$0x2] =	wrdreg s4  }
0xaf: {  	[dreg:$0x3] =	wrdreg s5  }
0xb0: {  	[dreg:$0x4] =	wrdreg $0xC0  }
0xb1: {  	_ =	task [dreg:s8], $0x5FFFF  }
0xb2: {  	[dreg:$0x1] =	wrdreg $0xFFFFFFFF  }
0xb3: {  	[dreg:$0x0] =	wrdreg $0x60  }
0xb4: {  	[dreg:$0x2] =	wrdreg s18  }
0xb5: {  	[dreg:$0x3] =	wrdreg s17  }
0xb6: {  	[dreg:$0x4] =	wrdreg $0x9  }
0xb7: {  	_ =	task.clear_ibuf [dreg:s8], $0x5FFFF;
	_ =	strace $0x90000046  }
0xb8: {  	s29 =	simm.s32 $0x9;
	_ =	strace $0x80000048  }
0xb9: {  	_ =	swait.ge [sflag:s29], $0x1  }
0xba: {  	[sflag:s29] =	ssyncadd.s32 $0xFFFFFFFF  }
0xbb: {  	_ =	strace $0x90000048  }
0xbc: {  	_ =	sfence  }
0xbd: {  	s30 =	sld [smem:$0x0];
	_ =	sdelay $0x2  }
0xbe: {  	s31 =	sshll.u32 s1, $0xD;
	s1 =	sshrl.u32 s1, $0x2  }
0xbf: {  	s3 =	sand.u32 $0x4000, s31;
	s1 =	sadd.s32 s1, s30  }
0xc0: {  	s0 =	sor.u32 s3, s0;
	s1 =	sshll.u32 s1, $0x11  }
0xc1: {  	s0 =	sor.u32 s1, s0  }
0xc2: {  	s0 =	sadd.s32 $0x8F2B, s0  }
0xc3: {  	[sflag:s0] =	ssyncadd.remote.s32 $0x1  }
0xc4: {  	_ =	sfence.sel $0xFFFF  }
0xc5: {  	[dreg:$0x0] =	wrdreg $0xFFFFFFFF;
	(pc) =	sbr.abs _section_cstart, $3  }
0xc6: {  	[dreg:$0x1] =	wrdreg $0xFFFFFFFF  }
0xc7: {  	_ =	task.clear_ibuf [dreg:s8], $0x2FFFF;
	_ =	strace $0x9FFFFFFF  }
0xc8: {  	(tm) =	ssettm $0x7FFFFFFF  }
0xc9: {  	_ =	shalt  }
tec
execute0_lowered:
.L_overlay_start_1:
0x0: {  	(tag) =	ssettag $0x1  }
0x1: {  	s1 =	rddreg [dreg:$0x0]  }
0x2: {  	s8 =	rddreg [dreg:$0x1]  }
0x3: {  	s0 =	rddreg [dreg:$0x2]  }
0x4: {  	s3 =	simm.s32 $0x0;
	s4 =	srdreg.scid;
	s2 =	stileid.u32  }
0x5: {  	s12 =	simm.s32 $0x3880;
	s13 =	simm.s32 $0x0;
	[smem:$0x7FF] =	sst s3  }
0x6: {  	s4 =	sand.u32 $0x1, s4;
	s6 =	sshll.u32 s2, $0x1;
	s7 =	sshrl.u32 s2, $0x3  }
0x7: {  	_ =	strace $0x80000047;
	s5 =	ssub.s32 $0x2, s4;
	s6 =	sand.u32 $0xE, s6  }
0x8: {  	s9 =	sxor.u32 $0x1, s7;
	s10 =	smul.u32 $0x1800, s7;
	s7 =	sshll.u32 s7, $0xB  }
0x9: {  	s11 =	sshrl.u32 s5, $0x1;
	s4 =	sor.u32 s4, s6;
	s28 =	smul.u32 $0x6000, s9  }
0xa: {  	s29 =	ssub.s32 s5, s11;
	s30 =	sshll.u32 s4, $0x7;
	s11 =	simm.s32 $0x3000  }
0xb: {  	s4 =	sor.u32 s10, s30;
	s5 =	sshrl.u32 s28, $0x2;
	s31 =	sor.u32 s7, s30  }
0xc: {  	s9 =	smax.u32 s29, $0x1;
	s6 =	sadd.s32 $0x800, s5;
	s10 =	sshrl.u32 s31, $0x3  }
0xd: {  	s7 =	sadd.s32 $0x1000, s5;
	s8 =	sadd.s32 s8, s10;
	s10 =	simm.s32 $0x1  }
.LBB2_1:
0xe: {  	[tilespmem:s3], [sflag:$0x1] =	stream.linear.gather [hbm4b:s1+s3], $0x3000, $0x38;
	[tilespmem:$0x3900] =	vst v63  }
0xf: {  	s15 =	sand.u32 $0x780, s3;
	_ =	swait.ge [sflag:s10], $0x3000  }
0x10: {  	s16 =	sand.u32 $0x70, s3;
	s14 =	sadd.s32 s15, s5;
	[sflag:s10] =	ssyncset.done $0x0  }
0x11: {  	s17 =	sadd.s32 s15, s6;
	s20 =	sadd.s32 s16, s14;
	[sflag:s10] =	ssyncadd.s32 $0xFFFFD000  }
0x12: {  	s14 =	sadd.s32 s16, s17;
	v0 =	vld [tilespmem:s20+$0x0]  }
0x13: {  	s15 =	sadd.s32 s15, s7;
	v1 =	vld [tilespmem:s14+$0x0]  }
0x14: {  	s16 =	sadd.s32 s16, s15  }
0x15: {  	v2 =	vld [tilespmem:s16+$0x0];
	_ =	sdelay $0x2  }
0x16: {  	v3 =	vmul.f32 v0, v0;
	v4 =	vmul.f32 v1, v1  }
0x17: {  	v5 =	vshrl.u32 v0, $0x10  }
0x18: {  	v6 =	vmul.f32 v2, v2;
	v5 =	vand.u32 $0x1, v5;
	v3 =	vadd.f32 v4, v3  }
0x19: {  	v62 =	vshrl.u32 v1, $0x10;
	v63 =	vshrl.u32 v2, $0x10;
	v0 =	vadd.s32 v5, v0  }
0x1a: {  	v4 =	vand.u32 $0x1, v62;
	v5 =	vand.u32 $0x1, v63;
	v3 =	vadd.f32 v6, v3  }
0x1b: {  	s31 =	simm.s32 $0x3080;
	v0 =	vadd.s32 $0x7FFF, v0;
	v1 =	vadd.s32 v4, v1;
	v2 =	vadd.s32 v5, v2  }
0x1c: {  	s18 =	simm.s32 $0x10;
	s19 =	simm.s32 $0x20;
	v1 =	vadd.s32 $0x7FFF, v1;
	v0 =	vand.u32 $0xFFFF0000, v0;
	v2 =	vadd.s32 $0x7FFF, v2;
	[tilespmem:s31+$0x0] =	vst v3  }
0x1d: {  	s17 =	sand.u32 $0x70, s18;
	s18 =	sand.u32 $0x780, s18;
	s15 =	simm.s32 $0x3090;
	v1 =	vand.u32 $0xFFFF0000, v1;
	[tilespmem:s20+$0x0] =	vst v0;
	v0 =	vand.u32 $0xFFFF0000, v2  }
.LBB2_2:
0x1e: {  	s20 =	sand.u32 $0x70, s19  }
0x1f: {  	s21 =	sadd.s32 s18, s5;
	s22 =	sadd.s32 s18, s6;
	[tilespmem:s14+$0x0] =	vst v1;
	s23 =	smov.u32 s19  }
0x20: {  	s24 =	sadd.s32 $0x10, s19;
	s21 =	sadd.s32 s17, s21;
	s14 =	sadd.s32 s17, s22;
	[tilespmem:s16+$0x0] =	vst v0  }
0x21: {  	p0 =	sne.s32 s19, $0x7F0;
	s16 =	sadd.s32 s18, s7;
	v0 =	vld [tilespmem:s21+$0x0]  }
0x22: {  	s16 =	sadd.s32 s17, s16;
	s17 =	smov.u32 s20;
	v1 =	vld [tilespmem:s14+$0x0]  }
0x23: {  	v2 =	vld [tilespmem:s16+$0x0];
	_ =	sdelay $0x2  }
0x24: {  	v3 =	vmul.f32 v0, v0;
	v4 =	vshrl.u32 v0, $0x10  }
0x25: {  	v5 =	vmul.f32 v1, v1;
	v4 =	vand.u32 $0x1, v4;
	v6 =	vshrl.u32 v1, $0x10  }
0x26: {  	v7 =	vmul.f32 v2, v2;
	v0 =	vadd.s32 v4, v0;
	v4 =	vand.u32 $0x1, v6  }
0x27: {  	v3 =	vadd.f32 v5, v3;
	v0 =	vadd.s32 $0x7FFF, v0;
	v5 =	vshrl.u32 v2, $0x10  }
.Ltmp0:
0x28: {  	v1 =	vadd.s32 v4, v1;
	v4 =	vand.u32 $0x1, v5;
	(pc) =	sbr.rel @p0 .LBB2_2-.Ltmp0, $4  }
0x29: {  	v1 =	vadd.s32 $0x7FFF, v1;
	v3 =	vadd.f32 v7, v3;
	v2 =	vadd.s32 v4, v2  }
0x2a: {  	v0 =	vand.u32 $0xFFFF0000, v0  }
0x2b: {  	v1 =	vand.u32 $0xFFFF0000, v1;
	v2 =	vadd.s32 $0x7FFF, v2;
	[tilespmem:s15+$0x0] =	vst v3  }
0x2c: {  	s18 =	sand.u32 $0x780, s23;
	s19 =	smov.u32 s24;
	s15 =	sadd.s32 $0x10, s15;
	[tilespmem:s21+$0x0] =	vst v0;
	v0 =	vand.u32 $0xFFFF0000, v2  }
0x2d: {  	s19 =	sadd.s32 s18, s5;
	[tilespmem:s14+$0x0] =	vst v1  }
0x2e: {  	s30 =	sadd.s32 s18, s6;
	s19 =	sadd.s32 s17, s19;
	[tilespmem:s16+$0x0] =	vst v0  }
0x2f: {  	s14 =	sadd.s32 s17, s30;
	v0 =	vld [tilespmem:s19+$0x0]  }
0x30: {  	s31 =	sadd.s32 s18, s7;
	v1 =	vld [tilespmem:s14+$0x0]  }
0x31: {  	s16 =	sadd.s32 s17, s31  }
0x32: {  	v2 =	vld [tilespmem:s16+$0x0];
	_ =	sdelay $0x2  }
0x33: {  	v3 =	vmul.f32 v0, v0;
	v4 =	vmul.f32 v1, v1;
	_ =	sdelay $0x1  }
0x34: {  	v5 =	vshrl.u32 v0, $0x10;
	v6 =	vmul.f32 v2, v2;
	v3 =	vadd.f32 v4, v3  }
0x35: {  	v37 =	vshrl.u32 v1, $0x10;
	v38 =	vshrl.u32 v2, $0x10;
	v5 =	vand.u32 $0x1, v5  }
0x36: {  	v0 =	vadd.s32 v5, v0;
	v4 =	vand.u32 $0x1, v37;
	v3 =	vadd.f32 v6, v3  }
0x37: {  	v39 =	vand.u32 $0x1, v38;
	v0 =	vadd.s32 $0x7FFF, v0;
	v1 =	vadd.s32 v4, v1  }
0x38: {  	v2 =	vadd.s32 v39, v2;
	v1 =	vadd.s32 $0x7FFF, v1;
	v0 =	vand.u32 $0xFFFF0000, v0;
	[tilespmem:s15+$0x0] =	vst v3  }
0x39: {  	v2 =	vadd.s32 $0x7FFF, v2;
	v1 =	vand.u32 $0xFFFF0000, v1;
	[tilespmem:s19+$0x0] =	vst v0  }
0x3a: {  	v40 =	vand.u32 $0xFFFF0000, v2;
	[tilespmem:s14+$0x0] =	vst v1  }
0x3b: {  	[tilespmem:s16+$0x0] =	vst v40  }
0x3c: {  	v0 =	vld [tilespmem:s4+$0x0]  }
0x3d: {  	v1 =	vld [tilespmem:s4+$0x800];
	_ =	sdelay $0x1  }
0x3e: {  	v41 =	vld [tilespmem:s4+$0x1000];
	_ =	sdelay $0x2  }
0x3f: {  	v0 =	vmul.f32 v0, v0;
	v1 =	vmul.f32 v1, v1;
	_ =	sdelay $0x1  }
0x40: {  	v42 =	vmul.f32 v41, v41;
	v0 =	vadd.f32 v1, v0;
	_ =	sdelay $0x1  }
0x41: {  	v0 =	vadd.f32 v42, v0;
	_ =	sdelay $0x1  }
0x42: {  	[tilespmem:$0x3000] =	vst v0  }
0x43: {  	v0 =	vld [tilespmem:s4+$0x10]  }
0x44: {  	v43 =	vld [tilespmem:s4+$0x810];
	_ =	sdelay $0x1  }
0x45: {  	v44 =	vld [tilespmem:s4+$0x1010];
	_ =	sdelay $0x2  }
0x46: {  	v0 =	vmul.f32 v0, v0;
	v1 =	vmul.f32 v43, v43;
	_ =	sdelay $0x1  }
0x47: {  	v45 =	vmul.f32 v44, v44;
	v0 =	vadd.f32 v1, v0;
	_ =	sdelay $0x1  }
0x48: {  	v0 =	vadd.f32 v45, v0;
	_ =	sdelay $0x1  }
0x49: {  	[tilespmem:$0x3010] =	vst v0  }
0x4a: {  	v0 =	vld [tilespmem:s4+$0x20]  }
0x4b: {  	v46 =	vld [tilespmem:s4+$0x820];
	_ =	sdelay $0x1  }
0x4c: {  	v47 =	vld [tilespmem:s4+$0x1020];
	_ =	sdelay $0x2  }
0x4d: {  	v0 =	vmul.f32 v0, v0;
	v1 =	vmul.f32 v46, v46;
	_ =	sdelay $0x1  }
0x4e: {  	v48 =	vmul.f32 v47, v47;
	v0 =	vadd.f32 v1, v0;
	_ =	sdelay $0x1  }
0x4f: {  	v0 =	vadd.f32 v48, v0;
	_ =	sdelay $0x1  }
0x50: {  	[tilespmem:$0x3020] =	vst v0  }
0x51: {  	v0 =	vld [tilespmem:s4+$0x30]  }
0x52: {  	v49 =	vld [tilespmem:s4+$0x830];
	_ =	sdelay $0x1  }
0x53: {  	v50 =	vld [tilespmem:s4+$0x1030];
	_ =	sdelay $0x2  }
0x54: {  	v0 =	vmul.f32 v0, v0;
	v1 =	vmul.f32 v49, v49;
	_ =	sdelay $0x1  }
0x55: {  	v51 =	vmul.f32 v50, v50;
	v0 =	vadd.f32 v1, v0;
	_ =	sdelay $0x1  }
0x56: {  	v0 =	vadd.f32 v51, v0;
	_ =	sdelay $0x1  }
0x57: {  	[tilespmem:$0x3030] =	vst v0  }
0x58: {  	v0 =	vld [tilespmem:s4+$0x40]  }
0x59: {  	v52 =	vld [tilespmem:s4+$0x840];
	_ =	sdelay $0x1  }
0x5a: {  	v53 =	vld [tilespmem:s4+$0x1040];
	_ =	sdelay $0x2  }
0x5b: {  	v0 =	vmul.f32 v0, v0;
	v1 =	vmul.f32 v52, v52;
	_ =	sdelay $0x1  }
0x5c: {  	v54 =	vmul.f32 v53, v53;
	v0 =	vadd.f32 v1, v0;
	_ =	sdelay $0x1  }
0x5d: {  	v0 =	vadd.f32 v54, v0;
	_ =	sdelay $0x1  }
0x5e: {  	[tilespmem:$0x3040] =	vst v0  }
0x5f: {  	v0 =	vld [tilespmem:s4+$0x50]  }
0x60: {  	v55 =	vld [tilespmem:s4+$0x850];
	_ =	sdelay $0x1  }
0x61: {  	v56 =	vld [tilespmem:s4+$0x1050];
	_ =	sdelay $0x2  }
0x62: {  	v0 =	vmul.f32 v0, v0;
	v1 =	vmul.f32 v55, v55;
	_ =	sdelay $0x1  }
0x63: {  	v57 =	vmul.f32 v56, v56;
	v0 =	vadd.f32 v1, v0;
	_ =	sdelay $0x1  }
0x64: {  	v0 =	vadd.f32 v57, v0;
	_ =	sdelay $0x1  }
0x65: {  	[tilespmem:$0x3050] =	vst v0  }
0x66: {  	v0 =	vld [tilespmem:s4+$0x60]  }
0x67: {  	v58 =	vld [tilespmem:s4+$0x860];
	_ =	sdelay $0x1  }
0x68: {  	v59 =	vld [tilespmem:s4+$0x1060];
	_ =	sdelay $0x2  }
0x69: {  	v0 =	vmul.f32 v0, v0;
	v1 =	vmul.f32 v58, v58;
	_ =	sdelay $0x1  }
0x6a: {  	v60 =	vmul.f32 v59, v59;
	v0 =	vadd.f32 v1, v0;
	_ =	sdelay $0x1  }
0x6b: {  	v0 =	vadd.f32 v60, v0;
	_ =	sdelay $0x1  }
0x6c: {  	[tilespmem:$0x3060] =	vst v0  }
0x6d: {  	v0 =	vld [tilespmem:s4+$0x70]  }
0x6e: {  	v61 =	vld [tilespmem:s4+$0x870];
	_ =	sdelay $0x1  }
0x6f: {  	v62 =	vld [tilespmem:s4+$0x1070];
	_ =	sdelay $0x2  }
0x70: {  	v0 =	vmul.f32 v0, v0;
	v1 =	vmul.f32 v61, v61;
	_ =	sdelay $0x1  }
0x71: {  	v63 =	vmul.f32 v62, v62;
	v0 =	vadd.f32 v1, v0;
	_ =	sdelay $0x1  }
0x72: {  	v0 =	vadd.f32 v63, v0;
	_ =	sdelay $0x1  }
0x73: {  	s15 =	simm.s32 $0x0;
	s14 =	simm.s32 $0x0;
	[tilespmem:$0x3070] =	vst v0  }
.LBB2_4:
0x74: {  	s16 =	sshll.u32 s15, $0x2  }
0x75: {  	s17 =	sor.u32 s4, s16  }
0x76: {  	v0 =	vmov s17;
	_ =	sdelay $0x1  }
0x77: {  	v1 =	vand.u32 $0x7FFFFFFC, v0  }
0x78: {  	v2 =	vadd.s32 $0x800, v1;
	_ =	sdelay $0x1  }
0x79: {  	v0 =	vld.idx.msk [tilespmem:v0+s14+$0x0], $0xffff  }
0x7a: {  	s20 =	sand.u32 $0x780, s14;
	s18 =	sor.u32 $0x1, s17;
	v1 =	vadd.s32 $0x1000, v1  }
0x7b: {  	s19 =	sand.u32 $0x40, s14;
	s28 =	simm.s32 $0x30;
	v3 =	vmov s18;
	s18 =	sadd.s32 s20, s5  }
0x7c: {  	s23 =	sand.u32 $0x70, s28;
	s21 =	sadd.s32 s19, s18;
	v2 =	vld.idx.msk [tilespmem:v2+s14+$0x0], $0xffff  }
0x7d: {  	s25 =	sor.u32 $0x2, s17;
	s17 =	sor.u32 $0x3, s17;
	s29 =	sadd.s32 s23, s18;
	v19 =	vld [tilespmem:s21+$0x0]  }
0x7e: {  	v12 =	vmov s17;
	s17 =	sadd.s32 s20, s7;
	s20 =	sadd.s32 s20, s6;
	v21 =	vld [tilespmem:s29+$0x0];
	v4 =	vshrl.u32 v0, $0x10  }
0x7f: {  	s22 =	simm.s32 $0x10;
	s30 =	sadd.s32 s19, s20;
	v5 =	vld.idx.msk [tilespmem:v1+s14+$0x0], $0xffff;
	v1 =	vand.u32 $0x7FFFFFFD, v3;
	v4 =	vand.u32 $0x1, v4  }
0x80: {  	s26 =	sor.u32 $0x1, s16;
	s21 =	sand.u32 $0x50, s22;
	v26 =	vld [tilespmem:s30+$0x0];
	v0 =	vadd.s32 v4, v0;
	v4 =	vadd.s32 $0x800, v1  }
0x81: {  	v14 =	vmov s26;
	s30 =	sadd.s32 s21, s18;
	v7 =	vld.idx.msk [tilespmem:v3+s14+$0x0], $0xffff;
	v6 =	vshrl.u32 v2, $0x10;
	v0 =	vadd.s32 $0x7FFF, v0  }
0x82: {  	v13 =	vadd.s32 $0x1000, v12;
	v41 =	vld [tilespmem:s30+$0x0];
	v6 =	vand.u32 $0x1, v6;
	v0 =	vand.u32 $0xFFFF0000, v0  }
0x83: {  	s28 =	simm.s32 $0x20;
	s26 =	sadd.s32 s21, s20;
	v3 =	vadd.s32 $0x1000, v1;
	v1 =	vmul.f32 $-2.000000000e+00, v0;
	v0 =	vadd.s32 v6, v2  }
0x84: {  	s22 =	sand.u32 $0x60, s28;
	v28 =	vld [tilespmem:s26+$0x0];
	v2 =	vshrl.u32 v5, $0x10;
	v6 =	vmov s25;
	v0 =	vadd.s32 $0x7FFF, v0  }
0x85: {  	s29 =	sadd.s32 s22, s20;
	v2 =	vand.u32 $0x1, v2;
	v0 =	vand.u32 $0xFFFF0000, v0;
	v8 =	vld.idx.msk [tilespmem:v4+s14+$0x0], $0xffff;
	v4 =	vand.u32 $0x7FFFFFFE, v6  }
0x86: {  	v34 =	vld [tilespmem:s29+$0x0];
	v2 =	vadd.s32 v2, v5;
	v5 =	vshrl.u32 v7, $0x10;
	v22 =	vmul.f32 v19, v1  }
0x87: {  	v27 =	vmul.f32 v21, v1;
	v58 =	vmul.f32 v41, v1;
	v10 =	vadd.s32 $0x800, v4  }
0x88: {  	s24 =	sadd.s32 s21, s17;
	v9 =	vld.idx.msk [tilespmem:v3+s14+$0x0], $0xffff;
	v2 =	vadd.s32 $0x7FFF, v2;
	v5 =	vand.u32 $0x1, v5;
	v3 =	vmul.f32 $-2.000000000e+00, v0  }
0x89: {  	v23 =	vld [tilespmem:s24+$0x0];
	v11 =	vadd.s32 $0x1000, v4;
	v0 =	vand.u32 $0xFFFF0000, v2;
	v2 =	vadd.s32 v5, v7  }
0x8a: {  	v4 =	vmul.f32 $-2.000000000e+00, v0;
	v0 =	vmov s16;
	v45 =	vmul.f32 v26, v3  }
0x8b: {  	v2 =	vadd.s32 $0x7FFF, v2;
	v51 =	vmul.f32 v34, v3;
	v52 =	vmul.f32 v28, v3  }
0x8c: {  	v6 =	vld.idx.msk [tilespmem:v6+s14+$0x0], $0xffff;
	v0 =	vbroadcast v0, $0x0;
	v2 =	vand.u32 $0xFFFF0000, v2;
	v7 =	vshrl.u32 v8, $0x10  }
0x8d: {  	v5 =	vmul.f32 $-2.000000000e+00, v2;
	v2 =	vand.u32 $0x1, v7;
	v7 =	vshrl.u32 v9, $0x10;
	v10 =	vld.idx.msk [tilespmem:v10+s14+$0x0], $0xffff  }
0x8e: {  	v37 =	vmul.f32 v23, v4;
	v11 =	vld.idx.msk [tilespmem:v11+s14+$0x0], $0xffff;
	v2 =	vadd.s32 v2, v8;
	v7 =	vand.u32 $0x1, v7  }
0x8f: {  	v24 =	vmul.f32 v19, v5;
	v2 =	vadd.s32 $0x7FFF, v2;
	v7 =	vadd.s32 v7, v9  }
0x90: {  	v63 =	vmul.f32 v41, v5;
	v2 =	vand.u32 $0xFFFF0000, v2;
	v8 =	vadd.s32 $0x7FFF, v7  }
0x91: {  	v9 =	vadd.s32 $0x800, v12;
	v7 =	vmul.f32 $-2.000000000e+00, v2;
	v2 =	vand.u32 $0xFFFF0000, v8  }
0x92: {  	v8 =	vmul.f32 $-2.000000000e+00, v2;
	v2 =	vbroadcast v14, $0x0  }
0x93: {  	v17 =	vld.idx.msk [tilespmem:v12+s14+$0x0], $0xffff;
	v14 =	vshrl.u32 v6, $0x10;
	v15 =	vshrl.u32 v10, $0x10;
	v16 =	vshrl.u32 v11, $0x10  }
0x94: {  	v13 =	vld.idx.msk [tilespmem:v13+s14+$0x0], $0xffff;
	v14 =	vand.u32 $0x1, v14;
	v12 =	vand.u32 $0x1, v15;
	v32 =	vmul.f32 v26, v7  }
0x95: {  	v40 =	vmul.f32 v28, v7;
	v54 =	vmul.f32 v34, v7;
	v6 =	vadd.s32 v14, v6  }
0x96: {  	v14 =	vand.u32 $0x1, v16;
	v15 =	vld.idx.msk [tilespmem:v9+s14+$0x0], $0xffff;
	v9 =	vadd.s32 v12, v10;
	v6 =	vadd.s32 $0x7FFF, v6  }
0x97: {  	v10 =	vadd.s32 v14, v11;
	v11 =	vadd.s32 $0x7FFF, v9;
	v6 =	vand.u32 $0xFFFF0000, v6  }
0x98: {  	v10 =	vadd.s32 $0x7FFF, v10;
	v9 =	vmul.f32 $-2.000000000e+00, v6;
	v6 =	vand.u32 $0xFFFF0000, v11  }
0x99: {  	s16 =	sor.u32 $0x2, s16;
	v16 =	vshrl.u32 v13, $0x10;
	v10 =	vand.u32 $0xFFFF0000, v10;
	v12 =	vmul.f32 $-2.000000000e+00, v6  }
0x9a: {  	v11 =	vmul.f32 $-2.000000000e+00, v10;
	v6 =	vmov s16;
	v10 =	vshrl.u32 v17, $0x10  }
0x9b: {  	v6 =	vbroadcast v6, $0x0;
	v14 =	vshrl.u32 v15, $0x10;
	v10 =	vand.u32 $0x1, v10  }
0x9c: {  	s16 =	simm.s32 $0x30A0;
	v25 =	vmul.f32 v19, v9;
	v53 =	vmul.f32 v41, v9;
	v14 =	vand.u32 $0x1, v14  }
0x9d: {  	v18 =	vld [tilespmem:s16+$0xFFFFFFE0];
	v10 =	vadd.s32 v10, v17;
	v38 =	vmul.f32 v23, v11;
	v33 =	vmul.f32 v26, v12  }
0x9e: {  	s18 =	sadd.s32 s22, s18;
	v17 =	vimm.f32 $+Inf;
	v42 =	vmul.f32 v28, v12;
	v49 =	vmul.f32 v34, v12  }
0x9f: {  	v44 =	vld [tilespmem:s18+$0x0];
	v14 =	vadd.s32 v14, v15;
	v15 =	vand.u32 $0x1, v16;
	v10 =	vadd.s32 $0x7FFF, v10  }
0xa0: {  	s31 =	sadd.s32 s23, s17;
	v20 =	vld [tilespmem:s16+$0x10];
	v14 =	vadd.s32 $0x7FFF, v14;
	v13 =	vadd.s32 v15, v13;
	v10 =	vand.u32 $0xFFFF0000, v10  }
0xa1: {  	v16 =	vld [tilespmem:s31+$0x0];
	v15 =	vand.u32 $0xFFFF0000, v14;
	v13 =	vadd.s32 $0x7FFF, v13;
	v14 =	vmul.f32 $-2.000000000e+00, v10  }
0xa2: {  	v15 =	vmul.f32 $-2.000000000e+00, v15;
	v10 =	vand.u32 $0xFFFF0000, v13;
	v29 =	vadd.f32 v18, v22  }
0xa3: {  	v22 =	vmul.f32 v21, v9;
	v31 =	vadd.f32 v18, v25;
	v25 =	vmul.f32 v23, v8  }
0xa4: {  	s20 =	sadd.s32 s23, s20;
	v62 =	vld [tilespmem:s16+$0xFFFFFFF0];
	v30 =	vadd.f32 v18, v24;
	v13 =	vmul.f32 $-2.000000000e+00, v10;
	v19 =	vmul.f32 v19, v14  }
0xa5: {  	v39 =	vld [tilespmem:s20+$0x0];
	s25 =	sshllo.u32 s15, $0x2;
	v35 =	vadd.f32 v20, v27;
	v24 =	vmul.f32 v21, v14;
	v21 =	vmul.f32 v21, v5  }
0xa6: {  	v10 =	vmov s25;
	v57 =	vmul.f32 v44, v14;
	v36 =	vmul.f32 v16, v4  }
0xa7: {  	v48 =	vld [tilespmem:s16+$0x0];
	v22 =	vadd.f32 v20, v22;
	v43 =	vmul.f32 v16, v8;
	v27 =	vmul.f32 v28, v15  }
0xa8: {  	s31 =	sadd.s32 s22, s17;
	v31 =	vadd.f32 v31, v33;
	v46 =	vmul.f32 v34, v15;
	v32 =	vadd.f32 v30, v32  }
0xa9: {  	v55 =	vld [tilespmem:s31+$0x0];
	v47 =	vmul.f32 v26, v15;
	v30 =	vadd.f32 v29, v45;
	v45 =	vadd.f32 v62, v58  }
0xaa: {  	s19 =	sadd.s32 s19, s17;
	v29 =	vmul.f32 v39, v7;
	v18 =	vadd.f32 v18, v19;
	v24 =	vadd.f32 v20, v24  }
0xab: {  	v19 =	vld [tilespmem:s19+$0x0];
	v26 =	vmul.f32 v23, v13;
	v23 =	vmul.f32 v44, v1;
	v20 =	vadd.f32 v20, v21  }
0xac: {  	v59 =	vadd.f32 v48, v57;
	v50 =	vadd.f32 v18, v47;
	v18 =	vmul.f32 v39, v3  }
0xad: {  	v21 =	vmul.f32 v41, v14;
	v61 =	vadd.f32 v45, v52;
	v28 =	vadd.f32 v48, v23  }
0xae: {  	v60 =	vmul.f32 v55, v4;
	v46 =	vadd.f32 v59, v46;
	v18 =	vadd.f32 v35, v18  }
0xaf: {  	v41 =	vmul.f32 v39, v12;
	v37 =	vadd.f32 v61, v37;
	v51 =	vadd.f32 v28, v51  }
0xb0: {  	v23 =	vadd.f32 v18, v36;
	v18 =	vadd.f32 v20, v29;
	v20 =	vmul.f32 v19, v8  }
0xb1: {  	v33 =	vmul.f32 v19, v11;
	v34 =	vmul.f32 v19, v4;
	v36 =	vadd.f32 v62, v21  }
0xb2: {  	v21 =	vmul.f32 v44, v5;
	v28 =	vadd.f32 v18, v43;
	v18 =	vadd.f32 v32, v20  }
0xb3: {  	v29 =	vadd.f32 v62, v63;
	v19 =	vmul.f32 v19, v13;
	v20 =	vmul.f32 v44, v9  }
0xb4: {  	v21 =	vadd.f32 v48, v21;
	v35 =	vmin.f32 v17, v18;
	v18 =	vadd.f32 v62, v53  }
0xb5: {  	v47 =	vmul.f32 v55, v13;
	v32 =	vadd.f32 v29, v40;
	v20 =	vadd.f32 v48, v20  }
0xb6: {  	v63 =	vmul.f32 v55, v11;
	v62 =	vadd.f32 v50, v19;
	v19 =	vld.idx.msk [tilespmem:v2+s11+$0x0], $0xffff;
	v29 =	vadd.f32 v18, v42  }
0xb7: {  	v43 =	vmul.f32 v39, v15;
	v39 =	vadd.f32 v21, v54;
	v21 =	vld.idx.msk [tilespmem:v10+s11+$0x0], $0xffff;
	v48 =	vadd.f32 v20, v49  }
0xb8: {  	v18 =	vld.idx.msk [tilespmem:v0+s11+$0x0], $0xffff;
	v42 =	vmul.f32 v55, v8;
	v40 =	vmin.f32 v17, v62;
	v45 =	vadd.f32 v29, v38  }
0xb9: {  	s18 =	simm.s32 $0x40;
	s16 =	simm.s32 $0x30E0;
	v20 =	vld.idx.msk [tilespmem:v6+s11+$0x0], $0xffff;
	v38 =	vadd.f32 v51, v60;
	v44 =	vadd.f32 v48, v63;
	v29 =	vimm.f32 $+Inf  }
.LBB2_5:
0xba: {  	s17 =	sand.u32 $0x780, s18  }
0xbb: {  	s19 =	sand.u32 $0x40, s18;
	v48 =	vld [tilespmem:s16+$0xFFFFFFE0];
	s20 =	sadd.s32 $0x20, s18;
	v31 =	vadd.f32 v31, v33;
	v33 =	vadd.f32 v46, v47;
	v46 =	vmul.f32 v16, v11;
	s21 =	smov.u32 s18  }
0xbc: {  	s22 =	sadd.s32 $0x10, s18;
	s23 =	sadd.s32 $0x30, s18;
	v25 =	vadd.f32 v32, v25;
	v27 =	vadd.f32 v36, v27;
	v16 =	vmul.f32 v16, v13;
	s21 =	sadd.s32 s17, s5;
	v47 =	vld [tilespmem:s16+$0x10]  }
0xbd: {  	v22 =	vadd.f32 v22, v41;
	v24 =	vadd.f32 v24, v43;
	s22 =	sand.u32 $0x50, s22;
	s23 =	sand.u32 $0x70, s23;
	s24 =	sadd.s32 s19, s21;
	v32 =	vld [tilespmem:s16+$0xFFFFFFF0];
	v17 =	vmin.f32 v17, v31  }
0xbe: {  	v30 =	vadd.f32 v30, v34;
	s25 =	sadd.s32 s23, s21;
	v26 =	vadd.f32 v27, v26;
	v31 =	vld [tilespmem:s24+$0x0];
	s24 =	sadd.s32 s17, s6;
	s17 =	sadd.s32 s17, s7;
	v17 =	vmin.f32 v17, v45  }
0xbf: {  	s20 =	sand.u32 $0x60, s20;
	v25 =	vmin.f32 v35, v25;
	v24 =	vadd.f32 v24, v16;
	s26 =	sadd.s32 s19, s24;
	s28 =	sadd.s32 s22, s17;
	v34 =	vld [tilespmem:s25+$0x0];
	v17 =	vmin.f32 v17, v44  }
0xc0: {  	v27 =	vmin.f32 v29, v30;
	v29 =	vadd.f32 v39, v42;
	s25 =	sadd.s32 s20, s21;
	v26 =	vmin.f32 v40, v26;
	v35 =	vld [tilespmem:s28+$0x0];
	s28 =	sadd.s32 s23, s24;
	s23 =	sadd.s32 s23, s17  }
0xc1: {  	v22 =	vadd.f32 v22, v46;
	v27 =	vmin.f32 v27, v37;
	s19 =	sadd.s32 s19, s17;
	s29 =	sadd.s32 s20, s24;
	s20 =	sadd.s32 s20, s17;
	v26 =	vmin.f32 v26, v33;
	v16 =	vld [tilespmem:s23+$0x0]  }
0xc2: {  	s21 =	sadd.s32 s22, s21;
	s22 =	sadd.s32 s22, s24;
	v27 =	vmin.f32 v27, v38;
	v25 =	vmin.f32 v25, v29;
	s17 =	sadd.s32 $0x40, s18;
	v38 =	vmin.f32 v26, v24;
	v30 =	vld [tilespmem:s26+$0x0]  }
0xc3: {  	p0 =	sne.s32 s18, $0x7C0;
	v17 =	vmin.f32 v17, v22;
	v24 =	vmul.f32 v31, v1;
	v26 =	vmul.f32 v31, v5;
	v40 =	vld [tilespmem:s20+$0x0]  }
0xc4: {  	v37 =	vmin.f32 v25, v28;
	v22 =	vmul.f32 v31, v9;
	v36 =	vld [tilespmem:s22+$0x0];
	v33 =	vmul.f32 v34, v1  }
0xc5: {  	v29 =	vmin.f32 v27, v23;
	v28 =	vadd.f32 v48, v24;
	v26 =	vadd.f32 v48, v26;
	v39 =	vld [tilespmem:s28+$0x0]  }
0xc6: {  	v23 =	vadd.f32 v48, v22;
	v22 =	vmul.f32 v31, v14;
	v42 =	vmul.f32 v35, v11;
	v41 =	vld [tilespmem:s21+$0x0]  }
0xc7: {  	v44 =	vmul.f32 v35, v4;
	v24 =	vmul.f32 v34, v9;
	v43 =	vld [tilespmem:s25+$0x0]  }
0xc8: {  	v27 =	vmul.f32 v34, v14;
	v49 =	vadd.f32 v47, v33;
	v45 =	vmul.f32 v30, v7;
	v46 =	vld [tilespmem:s29+$0x0]  }
0xc9: {  	v50 =	vmul.f32 v16, v4;
	v31 =	vmul.f32 v30, v12;
	v48 =	vadd.f32 v48, v22  }
0xca: {  	v25 =	vmul.f32 v35, v8;
	v22 =	vadd.f32 v47, v24;
	v51 =	vmul.f32 v36, v7  }
0xcb: {  	v54 =	vmul.f32 v16, v8;
	v24 =	vadd.f32 v47, v27;
	v53 =	vmul.f32 v36, v12;
	v52 =	vld [tilespmem:s19+$0x0]  }
0xcc: {  	v34 =	vmul.f32 v34, v5;
	v27 =	vmul.f32 v36, v15  }
0xcd: {  	v33 =	vmul.f32 v30, v3;
	v31 =	vadd.f32 v23, v31;
	v55 =	vmul.f32 v46, v15  }
0xce: {  	v45 =	vadd.f32 v26, v45;
	v23 =	vmul.f32 v30, v15;
	v26 =	vmul.f32 v35, v13;
	v56 =	vld [tilespmem:s16+$0x0]  }
0xcf: {  	v30 =	vadd.f32 v28, v33;
	v28 =	vmul.f32 v39, v7;
	v57 =	vmul.f32 v46, v12  }
0xd0: {  	v48 =	vadd.f32 v48, v23;
	v23 =	vmul.f32 v39, v3;
	v33 =	vmul.f32 v52, v11  }
0xd1: {  	v34 =	vadd.f32 v47, v34;
	v35 =	vmul.f32 v41, v5;
	v58 =	vmul.f32 v43, v1  }
0xd2: {  	v47 =	vmul.f32 v41, v14;
	v59 =	vmul.f32 v46, v3;
	v23 =	vadd.f32 v49, v23  }
0xd3: {  	v60 =	vmul.f32 v41, v9;
	v49 =	vmul.f32 v36, v3;
	v36 =	vadd.f32 v56, v58  }
0xd4: {  	v28 =	vadd.f32 v34, v28;
	v23 =	vadd.f32 v23, v50;
	v58 =	vmul.f32 v46, v7  }
0xd5: {  	v50 =	vadd.f32 v32, v35;
	v34 =	vmul.f32 v52, v4;
	v46 =	vmul.f32 v52, v8  }
0xd6: {  	v28 =	vadd.f32 v28, v54;
	v35 =	vmul.f32 v43, v14;
	v59 =	vadd.f32 v36, v59  }
0xd7: {  	v45 =	vadd.f32 v45, v46;
	v36 =	vadd.f32 v32, v47;
	v46 =	vmul.f32 v43, v9  }
0xd8: {  	v41 =	vmul.f32 v41, v1;
	v43 =	vmul.f32 v43, v5;
	v47 =	vadd.f32 v56, v35  }
0xd9: {  	v54 =	vmul.f32 v40, v4;
	v35 =	vmin.f32 v37, v45;
	v37 =	vadd.f32 v32, v60  }
0xda: {  	v45 =	vmul.f32 v52, v13;
	v52 =	vadd.f32 v56, v43;
	v56 =	vadd.f32 v56, v46  }
0xdb: {  	v60 =	vadd.f32 v32, v41;
	v46 =	vadd.f32 v47, v55;
	v41 =	vmul.f32 v39, v12  }
.Ltmp1:
0xdc: {  	v32 =	vadd.f32 v50, v51;
	v43 =	vmul.f32 v39, v15;
	v50 =	vadd.f32 v37, v53;
	(pc) =	sbr.rel @p0 .LBB2_5-.Ltmp1, $4  }
0xdd: {  	v47 =	vmul.f32 v40, v13;
	v37 =	vadd.f32 v60, v49;
	v49 =	vadd.f32 v56, v57  }
0xde: {  	v51 =	vmul.f32 v40, v11;
	v48 =	vadd.f32 v48, v45;
	v39 =	vadd.f32 v52, v58  }
0xdf: {  	v37 =	vadd.f32 v37, v44;
	v45 =	vadd.f32 v50, v42;
	v42 =	vmul.f32 v40, v8  }
0xe0: {  	s18 =	smov.u32 s17;
	s16 =	sadd.s32 $0x40, s16;
	v40 =	vmin.f32 v38, v48;
	v38 =	vadd.f32 v59, v54;
	v44 =	vadd.f32 v49, v51  }
0xe1: {  	v1 =	vadd.f32 v31, v33;
	v3 =	vadd.f32 v46, v47  }
0xe2: {  	v5 =	vadd.f32 v32, v25;
	v7 =	vadd.f32 v36, v27  }
0xe3: {  	v4 =	vmul.f32 v16, v11;
	v9 =	vadd.f32 v30, v34;
	v56 =	vadd.f32 v22, v41  }
0xe4: {  	v8 =	vmul.f32 v16, v13;
	v12 =	vadd.f32 v24, v43;
	v57 =	vadd.f32 v39, v42  }
0xe5: {  	v1 =	vmin.f32 v17, v1;
	v7 =	vadd.f32 v7, v26;
	v9 =	vmin.f32 v29, v9  }
0xe6: {  	v5 =	vmin.f32 v35, v5;
	v8 =	vadd.f32 v12, v8;
	v9 =	vmin.f32 v9, v37  }
0xe7: {  	v4 =	vadd.f32 v56, v4;
	v1 =	vmin.f32 v1, v45;
	v9 =	vmin.f32 v9, v38  }
0xe8: {  	v5 =	vmin.f32 v5, v57;
	v1 =	vmin.f32 v1, v44;
	v9 =	vmin.f32 v9, v23  }
0xe9: {  	v7 =	vmin.f32 v40, v7;
	v5 =	vmin.f32 v5, v28;
	v9 =	vadd.f32 v9, v18  }
0xea: {  	v3 =	vmin.f32 v7, v3;
	v1 =	vmin.f32 v1, v4;
	v58 =	vadd.f32 v5, v19  }
0xeb: {  	v3 =	vmin.f32 v3, v8;
	v1 =	vadd.f32 v1, v20;
	(xrf0) =	vmin.scan.msk.f32 $0xffff, v9  }
0xec: {  	v3 =	vadd.f32 v3, v21;
	(xrf0) =	vmin.scan.msk.f32 $0xffff, v58  }
0xed: {  	(xrf0) =	vmin.scan.msk.f32 $0xffff, v1  }
0xee: {  	(xrf0) =	vmin.scan.msk.f32 $0xffff, v3;
	_ =	sdelay $0x2  }
0xef: {  	s15 =	sadd.s32 $0x1, s15;
	v59, _, _ =	vpop (xrf0)  }
0xf0: {  	p0 =	sne.s32 s15, $0x20;
	v60, _, _ =	vpop (xrf0);
	v1 =	vbroadcast v59, $0xF  }
.Ltmp2:
0xf1: {  	v61, _, _ =	vpop (xrf0);
	v3 =	vbroadcast v60, $0xF;
	(pc) =	sbr.rel @p0 .LBB2_4-.Ltmp2, $4  }
0xf2: {  	[tilespmem:v0+s12+$0x0] =	vst.idx.msk $0x1, v1;
	v62 =	vbroadcast v61, $0xF;
	v63, _, _ =	vpop (xrf0)  }
0xf3: {  	[tilespmem:v2+s12+$0x0] =	vst.idx.msk $0x1, v3;
	v1 =	vbroadcast v63, $0xF  }
0xf4: {  	[tilespmem:v6+s12+$0x0] =	vst.idx.msk $0x1, v62  }
0xf5: {  	[tilespmem:v10+s12+$0x0] =	vst.idx.msk $0x1, v1  }
0xf6: {  	s13 =	sadd.s32 $0x1, s13  }
0xf7: {  	p0 =	sne.s32 s13, s9  }
.Ltmp3:
0xf8: {  	_ = 	snop;
	(pc) =	sbr.rel @p0 .LBB2_1-.Ltmp3, $4  }
0xf9: {  	[hbm4b:s8+s3] =	stream.linear.scatter [tilespmem:s12], [sflag:$0x1], $0x80, $0x38;
	[tilespmem:$0x3900] =	vst v63  }
0xfa: {  	_ =	swait.ge [sflag:s10], $0x80  }
0xfb: {  	[sflag:s10] =	ssyncset.done $0x0  }
0xfc: {  	[sflag:s10] =	ssyncadd.s32 $0xFFFFFF80  }
0xfd: {  	_ =	sfence.sel $0x180000  }
0xfe: {  	[bflag:$0x0] =	sbarrier.arrive $0xFFFF  }
0xff: {  	p0 =	sne.s32 s2, $0x0;
	_ =	strace $0x90000047  }
0x100: {  	s0 =	sadd.s32 @!p0 $0x100000, s0;
	[bflag:$0x2] =	sbarrier.arrive $0xFFFF  }
0x101: {  	[sflag:s0] =	ssyncadd.tile.s32 @!p0 $0x1;
	_ =	shalt  }
.Lfunc_end2:
_tile_overlayer_lowered:
.L_overlay_start_2:
0x102: {  	(tag) =	ssettag $0x2  }
0x103: {  	s0 =	rddreg [dreg:$0x0];
	s2 =	stileid.u32  }
0x104: {  	s1 =	rddreg [dreg:$0x1];
	p0 =	sne.s32 s2, $0x0  }
0x105: {  	s3 =	rddreg [dreg:$0x2];
	[bflag:$0x3] =	sbarrier.arrive $0xFFFF;
	s2 =	simm.s32 @!p0 $0x1C01  }
0x106: {  	[timem:s3], [sflag:s2] =	dma.local @!p0 [hbm:s0], s1  }
0x107: {  	s0 =	simm.s32 @!p0 $0x1  }
0x108: {  	_ =	swait.ge @!p0 [sflag:s0], s1  }
0x109: {  	s1 =	ssub.s32 @!p0 $0x0, s1;
	[sflag:s0] =	ssyncset.done @!p0 $0x0  }
0x10a: {  	[sflag:s0] =	ssyncadd.s32 @!p0 s1  }
0x10b: {  	[bflag:$0x3] =	sbarrier.arrive $0xFFFF  }
0x10c: {  	_ =	shalt  }

</sc_bundles>
